<compile_context>
chip_gen: v7x
topology: tpu7x:2x2x1
jax: 0.10.2.dev20260603
libtpu: 0.0.44.dev20260713+nightly
codegen_flags: <defaults>
</compile_context>

<pallas_src>
import functools

import jax
import jax.numpy as jnp
from jax import lax
from jax.experimental import pallas as pl
from jax.experimental.pallas import tpu as pltpu
from jax.experimental.pallas import tpu_sc as plsc

B = 4
S = 8192
N_EMBD = 768
N_CLASS = 10
CLF_TOKEN = 40480
LANES = 16
QUARTERS = 4
QCHUNK = S // QUARTERS

_GATHER_DNUMS = lax.GatherDimensionNumbers(
    offset_dims=(), collapsed_slice_dims=(0,), start_index_map=(0,))


def _lane_shuffle(x, idx):
    return lax.gather(x, idx[:, None], _GATHER_DNUMS, (1,),
                      mode=lax.GatherScatterMode.PROMISE_IN_BOUNDS)


def _lane_allreduce_sum(x, lane_iota):
    for shift in (8, 4, 2, 1):
        idx = (lane_iota + shift) & (LANES - 1)
        x = x + _lane_shuffle(x, idx)
    return x


def _clf_body(h2_hbm, tok_hbm, wt_hbm, bias_hbm, out_hbm,
              tok_v, row_v, wt_v, bias_v, out_v, cnt_smem,
              wsem, bsem, tsem, rsem):
    s = lax.axis_index("s")
    lane_iota = lax.iota(jnp.int32, LANES)
    b = s // QUARTERS
    q = s % QUARTERS
    owner = b * QUARTERS

    cnt_smem[0] = 0
    pltpu.async_copy(tok_hbm.at[b, pl.ds(q * QCHUNK, QCHUNK)], tok_v, tsem)

    @pl.when(q == 0)
    def _():
        pltpu.async_copy(wt_hbm, wt_v, wsem)
        pltpu.async_copy(bias_hbm, bias_v, bsem)
        pltpu.async_copy(h2_hbm.at[b * S + (S - 1)], row_v, rsem)

    plsc.subcore_barrier()

    pltpu.make_async_copy(tok_hbm.at[b, pl.ds(q * QCHUNK, QCHUNK)],
                          tok_v, tsem).wait()
    qbase = q * QCHUNK

    def scan_step(i, vacc):
        tv = tok_v[pl.ds(i * LANES, LANES)]
        posv = lane_iota + (qbase + i * LANES)
        return vacc + jnp.where(tv == CLF_TOKEN, posv, 0)

    vacc = lax.fori_loop(0, QCHUNK // LANES, scan_step,
                         jnp.zeros((LANES,), jnp.int32), unroll=8)
    part = _lane_allreduce_sum(vacc, lane_iota)
    p = jnp.squeeze(lax.slice(part, (0,), (1,)))
    plsc.fetch_and_add(cnt_smem.at[0], p, subcore_id=owner)

    plsc.subcore_barrier()

    @pl.when(q == 0)
    def _():
        idx = cnt_smem[0] + b * S
        idx = jnp.minimum(jnp.maximum(idx, 0), B * S - 1)
        pltpu.make_async_copy(h2_hbm.at[b * S + (S - 1)], row_v, rsem).wait()

        @pl.when(idx != b * S + (S - 1))
        def _():
            pltpu.sync_copy(h2_hbm.at[idx], row_v)

        pltpu.make_async_copy(wt_hbm, wt_v, wsem).wait()
        pltpu.make_async_copy(bias_hbm, bias_v, bsem).wait()

        def mm_step(i, accs):
            rv = row_v[pl.ds(i * LANES, LANES)]
            return tuple(
                accs[j] + rv * wt_v[j, pl.ds(i * LANES, LANES)]
                for j in range(N_CLASS))

        accs = lax.fori_loop(
            0, N_EMBD // LANES, mm_step,
            tuple(jnp.zeros((LANES,), jnp.float32) for _ in range(N_CLASS)),
            unroll=8)

        logits = bias_v[...]
        for j in range(N_CLASS):
            colsum = _lane_allreduce_sum(accs[j], lane_iota)
            logits = jnp.where(lane_iota == j, logits + colsum, logits)
        out_v[...] = logits
        pltpu.sync_copy(out_v, out_hbm.at[b])


@jax.jit
def kernel(h, x, W, b):
    h2 = h.reshape(B * S, N_EMBD)
    tok = x[..., 0]
    wt = W.T
    bias_pad = jnp.zeros((LANES,), jnp.float32).at[:N_CLASS].set(b)

    mesh = plsc.VectorSubcoreMesh(core_axis_name="c", subcore_axis_name="s",
                                  num_cores=1)
    run = functools.partial(
        pl.kernel,
        mesh=mesh,
        out_type=jax.ShapeDtypeStruct((B, LANES), jnp.float32),
        scratch_types=[
            pltpu.VMEM((QCHUNK,), jnp.int32),
            pltpu.VMEM((N_EMBD,), jnp.float32),
            pltpu.VMEM((N_CLASS, N_EMBD), jnp.float32),
            pltpu.VMEM((LANES,), jnp.float32),
            pltpu.VMEM((LANES,), jnp.float32),
            pltpu.SMEM((1,), jnp.int32),
            pltpu.SemaphoreType.DMA,
            pltpu.SemaphoreType.DMA,
            pltpu.SemaphoreType.DMA,
            pltpu.SemaphoreType.DMA,
        ],
    )(_clf_body)
    out = run(h2, tok, wt, bias_pad)
    return out[:, :N_CLASS]

# --- scband reference (transcript-rebuilt; emitter-appended) ---
"""Pipeline reference for scband-clf-head-67465346286164 (READ-ONLY COPY).

The authoritative reference and input builder live on the scoring server;
editing this copy changes nothing except your own understanding.
"""

import jax, jax.numpy as jnp
import numpy as np

B = 4
S = 8192
N_EMBD = 768
N_CLASS = 10
CLF_TOKEN = 40480


def setup_inputs(seed: int = 0) -> dict:
    key = jax.random.key(seed)
    k1, k2, k3, k4 = jax.random.split(key, 4)
    h = jax.random.normal(k1, (B, S, N_EMBD), dtype=jnp.float32)
    # token ids in [0, CLF_TOKEN) so no accidental clf tokens; second channel is positions
    x_tok = jax.random.randint(k2, (B, S), 0, CLF_TOKEN, dtype=jnp.int32)
    # place the classification token at the end of every sequence
    x_tok = x_tok.at[:, -1].set(CLF_TOKEN)
    x_pos = jnp.broadcast_to(jnp.arange(S, dtype=jnp.int32)[None, :], (B, S))
    x = jnp.stack([x_tok, x_pos], axis=-1)  # [B, S, 2]
    # learned params of the Dense head (kernel stddev 0.02, bias stddev 1.0 per initializers)
    W = jax.random.normal(k3, (N_EMBD, N_CLASS), dtype=jnp.float32) * 0.02
    b = jax.random.normal(k4, (N_CLASS,), dtype=jnp.float32) * 1.0
    return {"h": h, "x": x, "W": W, "b": b}


def reference(h, x, W, b):
    # clf_h = tf.reshape(h, [-1, n_embd])
    clf_h = h.reshape(-1, N_EMBD)
    # flat = tf.reshape(x[..., 0], [-1])
    flat = x[..., 0].reshape(-1)
    # boolean mask selecting positions holding the clf token (gather of matching rows)
    mask = flat == CLF_TOKEN
    # exactly one clf token per sequence by construction: gather that row per batch
    bsz, seqlen = x.shape[0], x.shape[1]
    idx = jnp.argmax(mask.reshape(bsz, seqlen), axis=-1) + jnp.arange(bsz) * seqlen
    clf_h = clf_h[idx]  # [B, N_EMBD]
    # dropout is identity at inference
    clf_logits = clf_h @ W + b
    return clf_logits

if __name__ == "__main__":
    import jax
    _d = setup_inputs()
    print(jax.jit(kernel)(*tuple(_d.values())))

</pallas_src>

<mosaic_0001>
#map = affine_map<(d0, d1) -> (0, 0)>
#map1 = affine_map<(d0, d1) -> (0)>
module attributes {stable_mosaic.version = 14 : i64} {
  func.func @_clf_body(%arg0: i32, %arg1: i32, %arg2: memref<32768x768xf32, #tpu.memory_space<hbm>>, %arg3: memref<4x8192xi32, #tpu.memory_space<hbm>>, %arg4: memref<10x768xf32, #tpu.memory_space<hbm>>, %arg5: memref<16xf32, #tpu.memory_space<hbm>>, %arg6: memref<4x16xf32, #tpu.memory_space<hbm>>, %arg7: memref<2048xi32, #tpu.memory_space<vmem>>, %arg8: memref<768xf32, #tpu.memory_space<vmem>>, %arg9: memref<10x768xf32, #tpu.memory_space<vmem>>, %arg10: memref<16xf32, #tpu.memory_space<vmem>>, %arg11: memref<16xf32, #tpu.memory_space<vmem>>, %arg12: memref<1xi32, #tpu.memory_space<smem>>, %arg13: memref<!tpu.dma_semaphore, #tpu.memory_space<semaphore_mem>>, %arg14: memref<!tpu.dma_semaphore, #tpu.memory_space<semaphore_mem>>, %arg15: memref<!tpu.dma_semaphore, #tpu.memory_space<semaphore_mem>>, %arg16: memref<!tpu.dma_semaphore, #tpu.memory_space<semaphore_mem>>) attributes {dimension_semantics = [#tpu.dimension_semantics<core_parallel>, #tpu.dimension_semantics<subcore_parallel>], iteration_bounds = array<i64: 1, 16>, scalar_prefetch = 0 : i64, scratch_operands = 10 : i64, tpu.core_type = #tpu.core_type<sc_vector_subcore>, window_params = [{transform_indices = #map}, {transform_indices = #map}, {transform_indices = #map}, {transform_indices = #map1}, {transform_indices = #map}]} {
    %iota3A = tpu.iota {dimensions = array<i32: 0>} : vector<16xi32>
    %jit3A = arith.constant 4 : i32
    %div3A = arith.divsi %arg1, %jit3A : i32
    %sign3A = arith.constant 0 : i32
    %sign3A_0 = arith.cmpi sgt, %arg1, %sign3A : i32
    %sign3A_1 = arith.extui %sign3A_0 : i1 to i32
    %sign3A_2 = arith.constant 0 : i32
    %sign3A_3 = arith.cmpi slt, %arg1, %sign3A_2 : i32
    %sign3A_4 = arith.extui %sign3A_3 : i1 to i32
    %sign3A_5 = arith.subi %sign3A_1, %sign3A_4 : i32
    %sign3A_6 = arith.constant 0 : i32
    %sign3A_7 = arith.cmpi sgt, %jit3A, %sign3A_6 : i32
    %sign3A_8 = arith.extui %sign3A_7 : i1 to i32
    %sign3A_9 = arith.constant 0 : i32
    %sign3A_10 = arith.cmpi slt, %jit3A, %sign3A_9 : i32
    %sign3A_11 = arith.extui %sign3A_10 : i1 to i32
    %sign3A_12 = arith.subi %sign3A_8, %sign3A_11 : i32
    %ne3A = arith.cmpi ne, %sign3A_5, %sign3A_12 : i32
    %rem3A = arith.remsi %arg1, %jit3A : i32
    %ne3A_13 = arith.constant 0 : i32
    %ne3A_14 = arith.cmpi ne, %rem3A, %ne3A_13 : i32
    %and3A = arith.andi %ne3A, %ne3A_14 : i1
    %sub3A = arith.constant 1 : i32
    %sub3A_15 = arith.subi %div3A, %sub3A : i32
    %select_n3A = arith.select %and3A, %sub3A_15, %div3A : i32
    %jit3A_16 = arith.constant 4 : i32
    %eq3A = arith.constant 0 : i32
    %eq3A_17 = arith.cmpi eq, %jit3A_16, %eq3A : i32
    %jit3A_18 = arith.constant 1 : i32
    %select_n3A_19 = arith.select %eq3A_17, %jit3A_18, %jit3A_16 : i32
    %rem3A_20 = arith.remsi %arg1, %select_n3A_19 : i32
    %ne3A_21 = arith.constant 0 : i32
    %ne3A_22 = arith.cmpi ne, %rem3A_20, %ne3A_21 : i32
    %lt3A = arith.constant 0 : i32
    %lt3A_23 = arith.cmpi slt, %rem3A_20, %lt3A : i32
    %lt3A_24 = arith.constant 0 : i32
    %lt3A_25 = arith.cmpi slt, %select_n3A_19, %lt3A_24 : i32
    %ne3A_26 = arith.xori %lt3A_23, %lt3A_25 : i1
    %and3A_27 = arith.andi %ne3A_26, %ne3A_22 : i1
    %add3A = arith.addi %rem3A_20, %select_n3A_19 : i32
    %select_n3A_28 = arith.select %and3A_27, %add3A, %rem3A_20 : i32
    %mul3A = arith.constant 4 : i32
    %mul3A_29 = arith.muli %select_n3A, %mul3A : i32
    %swap3A = arith.constant 0 : i32
    %swap3A_30 = arith.constant 0 : i32
    %swap3A_31 = arith.index_cast %swap3A_30 : i32 to index
    %swap3A_32 = memref.load %arg12[%swap3A_31] : memref<1xi32, #tpu.memory_space<smem>>
    memref.store %swap3A, %arg12[%swap3A_31] : memref<1xi32, #tpu.memory_space<smem>>
    %mul3A_33 = arith.constant 2048 : i32
    %mul3A_34 = arith.muli %select_n3A_28, %mul3A_33 : i32
    %dma_start3A = tpu.memref_slice %arg3[%select_n3A, %mul3A_34] : memref<4x8192xi32, #tpu.memory_space<hbm>> -> memref<1x2048xi32, #tpu.memory_space<hbm>>
    %dma_start3A_35 = tpu.memref_squeeze %dma_start3A : memref<1x2048xi32, #tpu.memory_space<hbm>> -> memref<2048xi32, #tpu.memory_space<hbm>>
    %dma_start3A_36 = tpu.memref_slice %arg3[%select_n3A, %mul3A_34] : memref<4x8192xi32, #tpu.memory_space<hbm>> -> memref<1x2048xi32, #tpu.memory_space<hbm>>
    %dma_start3A_37 = tpu.memref_squeeze %dma_start3A_36 : memref<1x2048xi32, #tpu.memory_space<hbm>> -> memref<2048xi32, #tpu.memory_space<hbm>>
    tpu.enqueue_dma source(%dma_start3A_37 : memref<2048xi32, #tpu.memory_space<hbm>>) target(%arg7 : memref<2048xi32, #tpu.memory_space<vmem>>) target_semaphore(%arg15 : memref<!tpu.dma_semaphore, #tpu.memory_space<semaphore_mem>>)
    %eq3A_38 = arith.constant 0 : i32
    %eq3A_39 = arith.cmpi eq, %select_n3A_28, %eq3A_38 : i32
    %convert_element_type3A = arith.extui %eq3A_39 : i1 to i32
    %cond3A = arith.constant 0 : i32
    %cond3A_40 = arith.cmpi ne, %convert_element_type3A, %cond3A : i32
    scf.if %cond3A_40 {
      tpu.enqueue_dma source(%arg4 : memref<10x768xf32, #tpu.memory_space<hbm>>) target(%arg9 : memref<10x768xf32, #tpu.memory_space<vmem>>) target_semaphore(%arg13 : memref<!tpu.dma_semaphore, #tpu.memory_space<semaphore_mem>>)
      tpu.enqueue_dma source(%arg5 : memref<16xf32, #tpu.memory_space<hbm>>) target(%arg10 : memref<16xf32, #tpu.memory_space<vmem>>) target_semaphore(%arg14 : memref<!tpu.dma_semaphore, #tpu.memory_space<semaphore_mem>>)
      %mul3A_100 = arith.constant 8192 : i32
      %mul3A_101 = arith.muli %select_n3A, %mul3A_100 : i32
      %add3A_102 = arith.constant 8191 : i32
      %add3A_103 = arith.addi %mul3A_101, %add3A_102 : i32
      %dma_start3A_104 = arith.constant 0 : i32
      %dma_start3A_105 = tpu.memref_slice %arg2[%add3A_103, %dma_start3A_104] : memref<32768x768xf32, #tpu.memory_space<hbm>> -> memref<1x768xf32, #tpu.memory_space<hbm>>
      %dma_start3A_106 = tpu.memref_squeeze %dma_start3A_105 : memref<1x768xf32, #tpu.memory_space<hbm>> -> memref<768xf32, #tpu.memory_space<hbm>>
      %dma_start3A_107 = arith.constant 0 : i32
      %dma_start3A_108 = tpu.memref_slice %arg2[%add3A_103, %dma_start3A_107] : memref<32768x768xf32, #tpu.memory_space<hbm>> -> memref<1x768xf32, #tpu.memory_space<hbm>>
      %dma_start3A_109 = tpu.memref_squeeze %dma_start3A_108 : memref<1x768xf32, #tpu.memory_space<hbm>> -> memref<768xf32, #tpu.memory_space<hbm>>
      tpu.enqueue_dma source(%dma_start3A_109 : memref<768xf32, #tpu.memory_space<hbm>>) target(%arg8 : memref<768xf32, #tpu.memory_space<vmem>>) target_semaphore(%arg16 : memref<!tpu.dma_semaphore, #tpu.memory_space<semaphore_mem>>)
    } else {
    }
    %barrier3A = arith.constant 0 : index
    tpu.barrier barrier_id(%barrier3A)
    %mul3A_41 = arith.constant 2048 : i32
    %mul3A_42 = arith.muli %select_n3A_28, %mul3A_41 : i32
    %dma_wait3A = tpu.memref_slice %arg3[%select_n3A, %mul3A_42] : memref<4x8192xi32, #tpu.memory_space<hbm>> -> memref<1x2048xi32, #tpu.memory_space<hbm>>
    %dma_wait3A_43 = tpu.memref_squeeze %dma_wait3A : memref<1x2048xi32, #tpu.memory_space<hbm>> -> memref<2048xi32, #tpu.memory_space<hbm>>
    %dma_wait3A_44 = tpu.memref_slice %arg3[%select_n3A, %mul3A_42] : memref<4x8192xi32, #tpu.memory_space<hbm>> -> memref<1x2048xi32, #tpu.memory_space<hbm>>
    %dma_wait3A_45 = tpu.memref_squeeze %dma_wait3A_44 : memref<1x2048xi32, #tpu.memory_space<hbm>> -> memref<2048xi32, #tpu.memory_space<hbm>>
    tpu.wait_dma2 semaphore(%arg15 : memref<!tpu.dma_semaphore, #tpu.memory_space<semaphore_mem>>) src(%dma_wait3A_45 : memref<2048xi32, #tpu.memory_space<hbm>>) dst(%arg7 : memref<2048xi32, #tpu.memory_space<vmem>>)
    %mul3A_46 = arith.constant 2048 : i32
    %mul3A_47 = arith.muli %select_n3A_28, %mul3A_46 : i32
    %broadcast_in_dim3A = arith.constant 0 : i32
    %broadcast_in_dim3A_48 = vector.broadcast %broadcast_in_dim3A : i32 to vector<16xi32>
    %scan3A = arith.constant 0 : i32
    %scan3A_49 = arith.constant 128 : i32
    %scan3A_50 = arith.addi %scan3A, %scan3A_49 : i32
    %scan3A_51 = arith.constant 8 : i32
    %scan3A_52 = scf.for %scan3A_100 = %scan3A to %scan3A_50 step %scan3A_51 iter_args(%scan3A_101 = %broadcast_in_dim3A_48) -> (vector<16xi32>)  : i32 {
      %mul3A_102 = arith.constant 16 : i32
      %mul3A_103 = arith.muli %scan3A_100, %mul3A_102 : i32
      %get3A = arith.index_cast %mul3A_103 : i32 to index
      %get3A_104 = tpu.vector_load %arg7[%get3A] {strides = array<i32>} : memref<2048xi32, #tpu.memory_space<vmem>>, vector<16xi32>,
      %get3A_105 = vector.shape_cast %get3A_104 : vector<16xi32> to vector<16xi32>
      %mul3A_106 = arith.constant 16 : i32
      %mul3A_107 = arith.muli %scan3A_100, %mul3A_106 : i32
      %add3A_108 = arith.addi %mul3A_47, %mul3A_107 : i32
      %add3A_109 = vector.broadcast %add3A_108 : i32 to vector<16xi32>
      %add3A_110 = arith.addi %iota3A, %add3A_109 : vector<16xi32>
      %eq3A_111 = arith.constant 40480 : i32
      %eq3A_112 = vector.broadcast %eq3A_111 : i32 to vector<16xi32>
      %eq3A_113 = arith.cmpi eq, %get3A_105, %eq3A_112 : vector<16xi32>
      %jit3A_114 = arith.constant 0 : i32
      %broadcast_in_dim3A_115 = vector.broadcast %jit3A_114 : i32 to vector<16xi32>
      %select_n3A_116 = arith.select %eq3A_113, %add3A_110, %broadcast_in_dim3A_115 : vector<16xi1>, vector<16xi32>
      %add3A_117 = arith.addi %scan3A_101, %select_n3A_116 : vector<16xi32>
      %scan3A_118 = arith.constant 1 : i32
      %scan3A_119 = arith.addi %scan3A_100, %scan3A_118 : i32
      %mul3A_120 = arith.constant 16 : i32
      %mul3A_121 = arith.muli %scan3A_119, %mul3A_120 : i32
      %get3A_122 = arith.index_cast %mul3A_121 : i32 to index
      %get3A_123 = tpu.vector_load %arg7[%get3A_122] {strides = array<i32>} : memref<2048xi32, #tpu.memory_space<vmem>>, vector<16xi32>,
      %get3A_124 = vector.shape_cast %get3A_123 : vector<16xi32> to vector<16xi32>
      %mul3A_125 = arith.constant 16 : i32
      %mul3A_126 = arith.muli %scan3A_119, %mul3A_125 : i32
      %add3A_127 = arith.addi %mul3A_47, %mul3A_126 : i32
      %add3A_128 = vector.broadcast %add3A_127 : i32 to vector<16xi32>
      %add3A_129 = arith.addi %iota3A, %add3A_128 : vector<16xi32>
      %eq3A_130 = arith.constant 40480 : i32
      %eq3A_131 = vector.broadcast %eq3A_130 : i32 to vector<16xi32>
      %eq3A_132 = arith.cmpi eq, %get3A_124, %eq3A_131 : vector<16xi32>
      %jit3A_133 = arith.constant 0 : i32
      %broadcast_in_dim3A_134 = vector.broadcast %jit3A_133 : i32 to vector<16xi32>
      %select_n3A_135 = arith.select %eq3A_132, %add3A_129, %broadcast_in_dim3A_134 : vector<16xi1>, vector<16xi32>
      %add3A_136 = arith.addi %add3A_117, %select_n3A_135 : vector<16xi32>
      %scan3A_137 = arith.constant 2 : i32
      %scan3A_138 = arith.addi %scan3A_100, %scan3A_137 : i32
      %mul3A_139 = arith.constant 16 : i32
      %mul3A_140 = arith.muli %scan3A_138, %mul3A_139 : i32
      %get3A_141 = arith.index_cast %mul3A_140 : i32 to index
      %get3A_142 = tpu.vector_load %arg7[%get3A_141] {strides = array<i32>} : memref<2048xi32, #tpu.memory_space<vmem>>, vector<16xi32>,
      %get3A_143 = vector.shape_cast %get3A_142 : vector<16xi32> to vector<16xi32>
      %mul3A_144 = arith.constant 16 : i32
      %mul3A_145 = arith.muli %scan3A_138, %mul3A_144 : i32
      %add3A_146 = arith.addi %mul3A_47, %mul3A_145 : i32
      %add3A_147 = vector.broadcast %add3A_146 : i32 to vector<16xi32>
      %add3A_148 = arith.addi %iota3A, %add3A_147 : vector<16xi32>
      %eq3A_149 = arith.constant 40480 : i32
      %eq3A_150 = vector.broadcast %eq3A_149 : i32 to vector<16xi32>
      %eq3A_151 = arith.cmpi eq, %get3A_143, %eq3A_150 : vector<16xi32>
      %jit3A_152 = arith.constant 0 : i32
      %broadcast_in_dim3A_153 = vector.broadcast %jit3A_152 : i32 to vector<16xi32>
      %select_n3A_154 = arith.select %eq3A_151, %add3A_148, %broadcast_in_dim3A_153 : vector<16xi1>, vector<16xi32>
      %add3A_155 = arith.addi %add3A_136, %select_n3A_154 : vector<16xi32>
      %scan3A_156 = arith.constant 3 : i32
      %scan3A_157 = arith.addi %scan3A_100, %scan3A_156 : i32
      %mul3A_158 = arith.constant 16 : i32
      %mul3A_159 = arith.muli %scan3A_157, %mul3A_158 : i32
      %get3A_160 = arith.index_cast %mul3A_159 : i32 to index
      %get3A_161 = tpu.vector_load %arg7[%get3A_160] {strides = array<i32>} : memref<2048xi32, #tpu.memory_space<vmem>>, vector<16xi32>,
      %get3A_162 = vector.shape_cast %get3A_161 : vector<16xi32> to vector<16xi32>
      %mul3A_163 = arith.constant 16 : i32
      %mul3A_164 = arith.muli %scan3A_157, %mul3A_163 : i32
      %add3A_165 = arith.addi %mul3A_47, %mul3A_164 : i32
      %add3A_166 = vector.broadcast %add3A_165 : i32 to vector<16xi32>
      %add3A_167 = arith.addi %iota3A, %add3A_166 : vector<16xi32>
      %eq3A_168 = arith.constant 40480 : i32
      %eq3A_169 = vector.broadcast %eq3A_168 : i32 to vector<16xi32>
      %eq3A_170 = arith.cmpi eq, %get3A_162, %eq3A_169 : vector<16xi32>
      %jit3A_171 = arith.constant 0 : i32
      %broadcast_in_dim3A_172 = vector.broadcast %jit3A_171 : i32 to vector<16xi32>
      %select_n3A_173 = arith.select %eq3A_170, %add3A_167, %broadcast_in_dim3A_172 : vector<16xi1>, vector<16xi32>
      %add3A_174 = arith.addi %add3A_155, %select_n3A_173 : vector<16xi32>
      %scan3A_175 = arith.constant 4 : i32
      %scan3A_176 = arith.addi %scan3A_100, %scan3A_175 : i32
      %mul3A_177 = arith.constant 16 : i32
      %mul3A_178 = arith.muli %scan3A_176, %mul3A_177 : i32
      %get3A_179 = arith.index_cast %mul3A_178 : i32 to index
      %get3A_180 = tpu.vector_load %arg7[%get3A_179] {strides = array<i32>} : memref<2048xi32, #tpu.memory_space<vmem>>, vector<16xi32>,
      %get3A_181 = vector.shape_cast %get3A_180 : vector<16xi32> to vector<16xi32>
      %mul3A_182 = arith.constant 16 : i32
      %mul3A_183 = arith.muli %scan3A_176, %mul3A_182 : i32
      %add3A_184 = arith.addi %mul3A_47, %mul3A_183 : i32
      %add3A_185 = vector.broadcast %add3A_184 : i32 to vector<16xi32>
      %add3A_186 = arith.addi %iota3A, %add3A_185 : vector<16xi32>
      %eq3A_187 = arith.constant 40480 : i32
      %eq3A_188 = vector.broadcast %eq3A_187 : i32 to vector<16xi32>
      %eq3A_189 = arith.cmpi eq, %get3A_181, %eq3A_188 : vector<16xi32>
      %jit3A_190 = arith.constant 0 : i32
      %broadcast_in_dim3A_191 = vector.broadcast %jit3A_190 : i32 to vector<16xi32>
      %select_n3A_192 = arith.select %eq3A_189, %add3A_186, %broadcast_in_dim3A_191 : vector<16xi1>, vector<16xi32>
      %add3A_193 = arith.addi %add3A_174, %select_n3A_192 : vector<16xi32>
      %scan3A_194 = arith.constant 5 : i32
      %scan3A_195 = arith.addi %scan3A_100, %scan3A_194 : i32
      %mul3A_196 = arith.constant 16 : i32
      %mul3A_197 = arith.muli %scan3A_195, %mul3A_196 : i32
      %get3A_198 = arith.index_cast %mul3A_197 : i32 to index
      %get3A_199 = tpu.vector_load %arg7[%get3A_198] {strides = array<i32>} : memref<2048xi32, #tpu.memory_space<vmem>>, vector<16xi32>,
      %get3A_200 = vector.shape_cast %get3A_199 : vector<16xi32> to vector<16xi32>
      %mul3A_201 = arith.constant 16 : i32
      %mul3A_202 = arith.muli %scan3A_195, %mul3A_201 : i32
      %add3A_203 = arith.addi %mul3A_47, %mul3A_202 : i32
      %add3A_204 = vector.broadcast %add3A_203 : i32 to vector<16xi32>
      %add3A_205 = arith.addi %iota3A, %add3A_204 : vector<16xi32>
      %eq3A_206 = arith.constant 40480 : i32
      %eq3A_207 = vector.broadcast %eq3A_206 : i32 to vector<16xi32>
      %eq3A_208 = arith.cmpi eq, %get3A_200, %eq3A_207 : vector<16xi32>
      %jit3A_209 = arith.constant 0 : i32
      %broadcast_in_dim3A_210 = vector.broadcast %jit3A_209 : i32 to vector<16xi32>
      %select_n3A_211 = arith.select %eq3A_208, %add3A_205, %broadcast_in_dim3A_210 : vector<16xi1>, vector<16xi32>
      %add3A_212 = arith.addi %add3A_193, %select_n3A_211 : vector<16xi32>
      %scan3A_213 = arith.constant 6 : i32
      %scan3A_214 = arith.addi %scan3A_100, %scan3A_213 : i32
      %mul3A_215 = arith.constant 16 : i32
      %mul3A_216 = arith.muli %scan3A_214, %mul3A_215 : i32
      %get3A_217 = arith.index_cast %mul3A_216 : i32 to index
      %get3A_218 = tpu.vector_load %arg7[%get3A_217] {strides = array<i32>} : memref<2048xi32, #tpu.memory_space<vmem>>, vector<16xi32>,
      %get3A_219 = vector.shape_cast %get3A_218 : vector<16xi32> to vector<16xi32>
      %mul3A_220 = arith.constant 16 : i32
      %mul3A_221 = arith.muli %scan3A_214, %mul3A_220 : i32
      %add3A_222 = arith.addi %mul3A_47, %mul3A_221 : i32
      %add3A_223 = vector.broadcast %add3A_222 : i32 to vector<16xi32>
      %add3A_224 = arith.addi %iota3A, %add3A_223 : vector<16xi32>
      %eq3A_225 = arith.constant 40480 : i32
      %eq3A_226 = vector.broadcast %eq3A_225 : i32 to vector<16xi32>
      %eq3A_227 = arith.cmpi eq, %get3A_219, %eq3A_226 : vector<16xi32>
      %jit3A_228 = arith.constant 0 : i32
      %broadcast_in_dim3A_229 = vector.broadcast %jit3A_228 : i32 to vector<16xi32>
      %select_n3A_230 = arith.select %eq3A_227, %add3A_224, %broadcast_in_dim3A_229 : vector<16xi1>, vector<16xi32>
      %add3A_231 = arith.addi %add3A_212, %select_n3A_230 : vector<16xi32>
      %scan3A_232 = arith.constant 7 : i32
      %scan3A_233 = arith.addi %scan3A_100, %scan3A_232 : i32
      %mul3A_234 = arith.constant 16 : i32
      %mul3A_235 = arith.muli %scan3A_233, %mul3A_234 : i32
      %get3A_236 = arith.index_cast %mul3A_235 : i32 to index
      %get3A_237 = tpu.vector_load %arg7[%get3A_236] {strides = array<i32>} : memref<2048xi32, #tpu.memory_space<vmem>>, vector<16xi32>,
      %get3A_238 = vector.shape_cast %get3A_237 : vector<16xi32> to vector<16xi32>
      %mul3A_239 = arith.constant 16 : i32
      %mul3A_240 = arith.muli %scan3A_233, %mul3A_239 : i32
      %add3A_241 = arith.addi %mul3A_47, %mul3A_240 : i32
      %add3A_242 = vector.broadcast %add3A_241 : i32 to vector<16xi32>
      %add3A_243 = arith.addi %iota3A, %add3A_242 : vector<16xi32>
      %eq3A_244 = arith.constant 40480 : i32
      %eq3A_245 = vector.broadcast %eq3A_244 : i32 to vector<16xi32>
      %eq3A_246 = arith.cmpi eq, %get3A_238, %eq3A_245 : vector<16xi32>
      %jit3A_247 = arith.constant 0 : i32
      %broadcast_in_dim3A_248 = vector.broadcast %jit3A_247 : i32 to vector<16xi32>
      %select_n3A_249 = arith.select %eq3A_246, %add3A_243, %broadcast_in_dim3A_248 : vector<16xi1>, vector<16xi32>
      %add3A_250 = arith.addi %add3A_231, %select_n3A_249 : vector<16xi32>
      scf.yield %add3A_250 : vector<16xi32>
    }
    %scan3A_53 = arith.constant 128 : i32
    %add3A_54 = arith.constant 8 : i32
    %add3A_55 = vector.broadcast %add3A_54 : i32 to vector<16xi32>
    %add3A_56 = arith.addi %iota3A, %add3A_55 : vector<16xi32>
    %and3A_57 = arith.constant 15 : i32
    %and3A_58 = vector.broadcast %and3A_57 : i32 to vector<16xi32>
    %and3A_59 = arith.andi %add3A_56, %and3A_58 : vector<16xi32>
    %broadcast_in_dim3A_60 = vector.shape_cast %and3A_59 : vector<16xi32> to vector<16x1xi32>
    %gather3A = vector.shape_cast %broadcast_in_dim3A_60 : vector<16x1xi32> to vector<16xi32>
    %gather3A_61 = tpu.dynamic_gather %scan3A_52[%gather3A] in [0] : vector<16xi32>, vector<16xi32> -> vector<16xi32>
    %add3A_62 = arith.addi %scan3A_52, %gather3A_61 : vector<16xi32>
    %add3A_63 = arith.constant 4 : i32
    %add3A_64 = vector.broadcast %add3A_63 : i32 to vector<16xi32>
    %add3A_65 = arith.addi %iota3A, %add3A_64 : vector<16xi32>
    %and3A_66 = arith.constant 15 : i32
    %and3A_67 = vector.broadcast %and3A_66 : i32 to vector<16xi32>
    %and3A_68 = arith.andi %add3A_65, %and3A_67 : vector<16xi32>
    %broadcast_in_dim3A_69 = vector.shape_cast %and3A_68 : vector<16xi32> to vector<16x1xi32>
    %gather3A_70 = vector.shape_cast %broadcast_in_dim3A_69 : vector<16x1xi32> to vector<16xi32>
    %gather3A_71 = tpu.dynamic_gather %add3A_62[%gather3A_70] in [0] : vector<16xi32>, vector<16xi32> -> vector<16xi32>
    %add3A_72 = arith.addi %add3A_62, %gather3A_71 : vector<16xi32>
    %add3A_73 = arith.constant 2 : i32
    %add3A_74 = vector.broadcast %add3A_73 : i32 to vector<16xi32>
    %add3A_75 = arith.addi %iota3A, %add3A_74 : vector<16xi32>
    %and3A_76 = arith.constant 15 : i32
    %and3A_77 = vector.broadcast %and3A_76 : i32 to vector<16xi32>
    %and3A_78 = arith.andi %add3A_75, %and3A_77 : vector<16xi32>
    %broadcast_in_dim3A_79 = vector.shape_cast %and3A_78 : vector<16xi32> to vector<16x1xi32>
    %gather3A_80 = vector.shape_cast %broadcast_in_dim3A_79 : vector<16x1xi32> to vector<16xi32>
    %gather3A_81 = tpu.dynamic_gather %add3A_72[%gather3A_80] in [0] : vector<16xi32>, vector<16xi32> -> vector<16xi32>
    %add3A_82 = arith.addi %add3A_72, %gather3A_81 : vector<16xi32>
    %add3A_83 = arith.constant 1 : i32
    %add3A_84 = vector.broadcast %add3A_83 : i32 to vector<16xi32>
    %add3A_85 = arith.addi %iota3A, %add3A_84 : vector<16xi32>
    %and3A_86 = arith.constant 15 : i32
    %and3A_87 = vector.broadcast %and3A_86 : i32 to vector<16xi32>
    %and3A_88 = arith.andi %add3A_85, %and3A_87 : vector<16xi32>
    %broadcast_in_dim3A_89 = vector.shape_cast %and3A_88 : vector<16xi32> to vector<16x1xi32>
    %gather3A_90 = vector.shape_cast %broadcast_in_dim3A_89 : vector<16x1xi32> to vector<16xi32>
    %gather3A_91 = tpu.dynamic_gather %add3A_82[%gather3A_90] in [0] : vector<16xi32>, vector<16xi32> -> vector<16xi32>
    %add3A_92 = arith.addi %add3A_82, %gather3A_91 : vector<16xi32>
    %slice3A = vector.extract_strided_slice %add3A_92 {offsets = [0], sizes = [1], strides = [1]} : vector<16xi32> to vector<1xi32>
    %squeeze3A = vector.extract %slice3A[0] : i32 from vector<1xi32>
    %sc_fetch_and_add3A = arith.constant 0 : i32
    %sc_fetch_and_add3A_93 = tpu.fetch_and_add_sync %arg12[%sc_fetch_and_add3A], %squeeze3A, %mul3A_29 : memref<1xi32, #tpu.memory_space<smem>>, i32 -> i32
    %barrier3A_94 = arith.constant 0 : index
    tpu.barrier barrier_id(%barrier3A_94)
    %eq3A_95 = arith.constant 0 : i32
    %eq3A_96 = arith.cmpi eq, %select_n3A_28, %eq3A_95 : i32
    %convert_element_type3A_97 = arith.extui %eq3A_96 : i1 to i32
    %cond3A_98 = arith.constant 0 : i32
    %cond3A_99 = arith.cmpi ne, %convert_element_type3A_97, %cond3A_98 : i32
    scf.if %cond3A_99 {
      %get3A = arith.constant 0 : i32
      %get3A_100 = arith.index_cast %get3A : i32 to index
      %get3A_101 = memref.load %arg12[%get3A_100] : memref<1xi32, #tpu.memory_space<smem>>
      %mul3A_102 = arith.constant 8192 : i32
      %mul3A_103 = arith.muli %select_n3A, %mul3A_102 : i32
      %add3A_104 = arith.addi %get3A_101, %mul3A_103 : i32
      %max3A = arith.constant 0 : i32
      %max3A_105 = arith.maxsi %add3A_104, %max3A : i32
      %min3A = arith.constant 32767 : i32
      %min3A_106 = arith.minsi %max3A_105, %min3A : i32
      %mul3A_107 = arith.constant 8192 : i32
      %mul3A_108 = arith.muli %select_n3A, %mul3A_107 : i32
      %add3A_109 = arith.constant 8191 : i32
      %add3A_110 = arith.addi %mul3A_108, %add3A_109 : i32
      %dma_wait3A_111 = arith.constant 0 : i32
      %dma_wait3A_112 = tpu.memref_slice %arg2[%add3A_110, %dma_wait3A_111] : memref<32768x768xf32, #tpu.memory_space<hbm>> -> memref<1x768xf32, #tpu.memory_space<hbm>>
      %dma_wait3A_113 = tpu.memref_squeeze %dma_wait3A_112 : memref<1x768xf32, #tpu.memory_space<hbm>> -> memref<768xf32, #tpu.memory_space<hbm>>
      %dma_wait3A_114 = arith.constant 0 : i32
      %dma_wait3A_115 = tpu.memref_slice %arg2[%add3A_110, %dma_wait3A_114] : memref<32768x768xf32, #tpu.memory_space<hbm>> -> memref<1x768xf32, #tpu.memory_space<hbm>>
      %dma_wait3A_116 = tpu.memref_squeeze %dma_wait3A_115 : memref<1x768xf32, #tpu.memory_space<hbm>> -> memref<768xf32, #tpu.memory_space<hbm>>
      tpu.wait_dma2 semaphore(%arg16 : memref<!tpu.dma_semaphore, #tpu.memory_space<semaphore_mem>>) src(%dma_wait3A_116 : memref<768xf32, #tpu.memory_space<hbm>>) dst(%arg8 : memref<768xf32, #tpu.memory_space<vmem>>)
      %mul3A_117 = arith.constant 8192 : i32
      %mul3A_118 = arith.muli %select_n3A, %mul3A_117 : i32
      %add3A_119 = arith.constant 8191 : i32
      %add3A_120 = arith.addi %mul3A_118, %add3A_119 : i32
      %ne3A_121 = arith.cmpi ne, %min3A_106, %add3A_120 : i32
      %convert_element_type3A_122 = arith.extui %ne3A_121 : i1 to i32
      %cond3A_123 = arith.constant 0 : i32
      %cond3A_124 = arith.cmpi ne, %convert_element_type3A_122, %cond3A_123 : i32
      scf.if %cond3A_124 {
        "tpu.region"() ({
          %run_scoped3A = tpu.sem_alloc : memref<!tpu.dma_semaphore, #tpu.memory_space<semaphore_mem>>
          %dma_start3A_608 = arith.constant 0 : i32
          %dma_start3A_609 = tpu.memref_slice %arg2[%min3A_106, %dma_start3A_608] : memref<32768x768xf32, #tpu.memory_space<hbm>> -> memref<1x768xf32, #tpu.memory_space<hbm>>
          %dma_start3A_610 = tpu.memref_squeeze %dma_start3A_609 : memref<1x768xf32, #tpu.memory_space<hbm>> -> memref<768xf32, #tpu.memory_space<hbm>>
          %dma_start3A_611 = arith.constant 0 : i32
          %dma_start3A_612 = tpu.memref_slice %arg2[%min3A_106, %dma_start3A_611] : memref<32768x768xf32, #tpu.memory_space<hbm>> -> memref<1x768xf32, #tpu.memory_space<hbm>>
          %dma_start3A_613 = tpu.memref_squeeze %dma_start3A_612 : memref<1x768xf32, #tpu.memory_space<hbm>> -> memref<768xf32, #tpu.memory_space<hbm>>
          tpu.enqueue_dma source(%dma_start3A_613 : memref<768xf32, #tpu.memory_space<hbm>>) target(%arg8 : memref<768xf32, #tpu.memory_space<vmem>>) target_semaphore(%run_scoped3A : memref<!tpu.dma_semaphore, #tpu.memory_space<semaphore_mem>>)
          %dma_wait3A_614 = arith.constant 0 : i32
          %dma_wait3A_615 = tpu.memref_slice %arg2[%min3A_106, %dma_wait3A_614] : memref<32768x768xf32, #tpu.memory_space<hbm>> -> memref<1x768xf32, #tpu.memory_space<hbm>>
          %dma_wait3A_616 = tpu.memref_squeeze %dma_wait3A_615 : memref<1x768xf32, #tpu.memory_space<hbm>> -> memref<768xf32, #tpu.memory_space<hbm>>
          %dma_wait3A_617 = arith.constant 0 : i32
          %dma_wait3A_618 = tpu.memref_slice %arg2[%min3A_106, %dma_wait3A_617] : memref<32768x768xf32, #tpu.memory_space<hbm>> -> memref<1x768xf32, #tpu.memory_space<hbm>>
          %dma_wait3A_619 = tpu.memref_squeeze %dma_wait3A_618 : memref<1x768xf32, #tpu.memory_space<hbm>> -> memref<768xf32, #tpu.memory_space<hbm>>
          tpu.wait_dma2 semaphore(%run_scoped3A : memref<!tpu.dma_semaphore, #tpu.memory_space<semaphore_mem>>) src(%dma_wait3A_619 : memref<768xf32, #tpu.memory_space<hbm>>) dst(%arg8 : memref<768xf32, #tpu.memory_space<vmem>>)
          tpu.yield
        }) : () -> ()
      } else {
      }
      tpu.wait_dma2 semaphore(%arg13 : memref<!tpu.dma_semaphore, #tpu.memory_space<semaphore_mem>>) src(%arg4 : memref<10x768xf32, #tpu.memory_space<hbm>>) dst(%arg9 : memref<10x768xf32, #tpu.memory_space<vmem>>)
      tpu.wait_dma2 semaphore(%arg14 : memref<!tpu.dma_semaphore, #tpu.memory_space<semaphore_mem>>) src(%arg5 : memref<16xf32, #tpu.memory_space<hbm>>) dst(%arg10 : memref<16xf32, #tpu.memory_space<vmem>>)
      %broadcast_in_dim3A_125 = arith.constant 0.000000e+00 : f32
      %broadcast_in_dim3A_126 = vector.broadcast %broadcast_in_dim3A_125 : f32 to vector<16xf32>
      %broadcast_in_dim3A_127 = arith.constant 0.000000e+00 : f32
      %broadcast_in_dim3A_128 = vector.broadcast %broadcast_in_dim3A_127 : f32 to vector<16xf32>
      %broadcast_in_dim3A_129 = arith.constant 0.000000e+00 : f32
      %broadcast_in_dim3A_130 = vector.broadcast %broadcast_in_dim3A_129 : f32 to vector<16xf32>
      %broadcast_in_dim3A_131 = arith.constant 0.000000e+00 : f32
      %broadcast_in_dim3A_132 = vector.broadcast %broadcast_in_dim3A_131 : f32 to vector<16xf32>
      %broadcast_in_dim3A_133 = arith.constant 0.000000e+00 : f32
      %broadcast_in_dim3A_134 = vector.broadcast %broadcast_in_dim3A_133 : f32 to vector<16xf32>
      %broadcast_in_dim3A_135 = arith.constant 0.000000e+00 : f32
      %broadcast_in_dim3A_136 = vector.broadcast %broadcast_in_dim3A_135 : f32 to vector<16xf32>
      %broadcast_in_dim3A_137 = arith.constant 0.000000e+00 : f32
      %broadcast_in_dim3A_138 = vector.broadcast %broadcast_in_dim3A_137 : f32 to vector<16xf32>
      %broadcast_in_dim3A_139 = arith.constant 0.000000e+00 : f32
      %broadcast_in_dim3A_140 = vector.broadcast %broadcast_in_dim3A_139 : f32 to vector<16xf32>
      %broadcast_in_dim3A_141 = arith.constant 0.000000e+00 : f32
      %broadcast_in_dim3A_142 = vector.broadcast %broadcast_in_dim3A_141 : f32 to vector<16xf32>
      %broadcast_in_dim3A_143 = arith.constant 0.000000e+00 : f32
      %broadcast_in_dim3A_144 = vector.broadcast %broadcast_in_dim3A_143 : f32 to vector<16xf32>
      %scan3A_145 = arith.constant 0 : i32
      %scan3A_146 = arith.constant 48 : i32
      %scan3A_147 = arith.addi %scan3A_145, %scan3A_146 : i32
      %scan3A_148 = arith.constant 8 : i32
      %scan3A_149:10 = scf.for %scan3A_608 = %scan3A_145 to %scan3A_147 step %scan3A_148 iter_args(%scan3A_609 = %broadcast_in_dim3A_126, %scan3A_610 = %broadcast_in_dim3A_128, %scan3A_611 = %broadcast_in_dim3A_130, %scan3A_612 = %broadcast_in_dim3A_132, %scan3A_613 = %broadcast_in_dim3A_134, %scan3A_614 = %broadcast_in_dim3A_136, %scan3A_615 = %broadcast_in_dim3A_138, %scan3A_616 = %broadcast_in_dim3A_140, %scan3A_617 = %broadcast_in_dim3A_142, %scan3A_618 = %broadcast_in_dim3A_144) -> (vector<16xf32>, vector<16xf32>, vector<16xf32>, vector<16xf32>, vector<16xf32>, vector<16xf32>, vector<16xf32>, vector<16xf32>, vector<16xf32>, vector<16xf32>)  : i32 {
        %mul3A_619 = arith.constant 16 : i32
        %mul3A_620 = arith.muli %scan3A_608, %mul3A_619 : i32
        %get3A_621 = arith.index_cast %mul3A_620 : i32 to index
        %get3A_622 = tpu.vector_load %arg8[%get3A_621] {strides = array<i32>} : memref<768xf32, #tpu.memory_space<vmem>>, vector<16xf32>,
        %get3A_623 = vector.shape_cast %get3A_622 : vector<16xf32> to vector<16xf32>
        %mul3A_624 = arith.constant 16 : i32
        %mul3A_625 = arith.muli %scan3A_608, %mul3A_624 : i32
        %get3A_626 = arith.constant 0 : i32
        %get3A_627 = arith.index_cast %get3A_626 : i32 to index
        %get3A_628 = arith.index_cast %mul3A_625 : i32 to index
        %get3A_629 = tpu.vector_load %arg9[%get3A_627, %get3A_628] {strides = array<i32>} : memref<10x768xf32, #tpu.memory_space<vmem>>, vector<1x16xf32>,
        %get3A_630 = vector.shape_cast %get3A_629 : vector<1x16xf32> to vector<16xf32>
        %mul3A_631 = arith.mulf %get3A_623, %get3A_630 : vector<16xf32>
        %add3A_632 = arith.addf %scan3A_609, %mul3A_631 : vector<16xf32>
        %mul3A_633 = arith.constant 16 : i32
        %mul3A_634 = arith.muli %scan3A_608, %mul3A_633 : i32
        %get3A_635 = arith.constant 1 : i32
        %get3A_636 = arith.index_cast %get3A_635 : i32 to index
        %get3A_637 = arith.index_cast %mul3A_634 : i32 to index
        %get3A_638 = tpu.vector_load %arg9[%get3A_636, %get3A_637] {strides = array<i32>} : memref<10x768xf32, #tpu.memory_space<vmem>>, vector<1x16xf32>,
        %get3A_639 = vector.shape_cast %get3A_638 : vector<1x16xf32> to vector<16xf32>
        %mul3A_640 = arith.mulf %get3A_623, %get3A_639 : vector<16xf32>
        %add3A_641 = arith.addf %scan3A_610, %mul3A_640 : vector<16xf32>
        %mul3A_642 = arith.constant 16 : i32
        %mul3A_643 = arith.muli %scan3A_608, %mul3A_642 : i32
        %get3A_644 = arith.constant 2 : i32
        %get3A_645 = arith.index_cast %get3A_644 : i32 to index
        %get3A_646 = arith.index_cast %mul3A_643 : i32 to index
        %get3A_647 = tpu.vector_load %arg9[%get3A_645, %get3A_646] {strides = array<i32>} : memref<10x768xf32, #tpu.memory_space<vmem>>, vector<1x16xf32>,
        %get3A_648 = vector.shape_cast %get3A_647 : vector<1x16xf32> to vector<16xf32>
        %mul3A_649 = arith.mulf %get3A_623, %get3A_648 : vector<16xf32>
        %add3A_650 = arith.addf %scan3A_611, %mul3A_649 : vector<16xf32>
        %mul3A_651 = arith.constant 16 : i32
        %mul3A_652 = arith.muli %scan3A_608, %mul3A_651 : i32
        %get3A_653 = arith.constant 3 : i32
        %get3A_654 = arith.index_cast %get3A_653 : i32 to index
        %get3A_655 = arith.index_cast %mul3A_652 : i32 to index
        %get3A_656 = tpu.vector_load %arg9[%get3A_654, %get3A_655] {strides = array<i32>} : memref<10x768xf32, #tpu.memory_space<vmem>>, vector<1x16xf32>,
        %get3A_657 = vector.shape_cast %get3A_656 : vector<1x16xf32> to vector<16xf32>
        %mul3A_658 = arith.mulf %get3A_623, %get3A_657 : vector<16xf32>
        %add3A_659 = arith.addf %scan3A_612, %mul3A_658 : vector<16xf32>
        %mul3A_660 = arith.constant 16 : i32
        %mul3A_661 = arith.muli %scan3A_608, %mul3A_660 : i32
        %get3A_662 = arith.constant 4 : i32
        %get3A_663 = arith.index_cast %get3A_662 : i32 to index
        %get3A_664 = arith.index_cast %mul3A_661 : i32 to index
        %get3A_665 = tpu.vector_load %arg9[%get3A_663, %get3A_664] {strides = array<i32>} : memref<10x768xf32, #tpu.memory_space<vmem>>, vector<1x16xf32>,
        %get3A_666 = vector.shape_cast %get3A_665 : vector<1x16xf32> to vector<16xf32>
        %mul3A_667 = arith.mulf %get3A_623, %get3A_666 : vector<16xf32>
        %add3A_668 = arith.addf %scan3A_613, %mul3A_667 : vector<16xf32>
        %mul3A_669 = arith.constant 16 : i32
        %mul3A_670 = arith.muli %scan3A_608, %mul3A_669 : i32
        %get3A_671 = arith.constant 5 : i32
        %get3A_672 = arith.index_cast %get3A_671 : i32 to index
        %get3A_673 = arith.index_cast %mul3A_670 : i32 to index
        %get3A_674 = tpu.vector_load %arg9[%get3A_672, %get3A_673] {strides = array<i32>} : memref<10x768xf32, #tpu.memory_space<vmem>>, vector<1x16xf32>,
        %get3A_675 = vector.shape_cast %get3A_674 : vector<1x16xf32> to vector<16xf32>
        %mul3A_676 = arith.mulf %get3A_623, %get3A_675 : vector<16xf32>
        %add3A_677 = arith.addf %scan3A_614, %mul3A_676 : vector<16xf32>
        %mul3A_678 = arith.constant 16 : i32
        %mul3A_679 = arith.muli %scan3A_608, %mul3A_678 : i32
        %get3A_680 = arith.constant 6 : i32
        %get3A_681 = arith.index_cast %get3A_680 : i32 to index
        %get3A_682 = arith.index_cast %mul3A_679 : i32 to index
        %get3A_683 = tpu.vector_load %arg9[%get3A_681, %get3A_682] {strides = array<i32>} : memref<10x768xf32, #tpu.memory_space<vmem>>, vector<1x16xf32>,
        %get3A_684 = vector.shape_cast %get3A_683 : vector<1x16xf32> to vector<16xf32>
        %mul3A_685 = arith.mulf %get3A_623, %get3A_684 : vector<16xf32>
        %add3A_686 = arith.addf %scan3A_615, %mul3A_685 : vector<16xf32>
        %mul3A_687 = arith.constant 16 : i32
        %mul3A_688 = arith.muli %scan3A_608, %mul3A_687 : i32
        %get3A_689 = arith.constant 7 : i32
        %get3A_690 = arith.index_cast %get3A_689 : i32 to index
        %get3A_691 = arith.index_cast %mul3A_688 : i32 to index
        %get3A_692 = tpu.vector_load %arg9[%get3A_690, %get3A_691] {strides = array<i32>} : memref<10x768xf32, #tpu.memory_space<vmem>>, vector<1x16xf32>,
        %get3A_693 = vector.shape_cast %get3A_692 : vector<1x16xf32> to vector<16xf32>
        %mul3A_694 = arith.mulf %get3A_623, %get3A_693 : vector<16xf32>
        %add3A_695 = arith.addf %scan3A_616, %mul3A_694 : vector<16xf32>
        %mul3A_696 = arith.constant 16 : i32
        %mul3A_697 = arith.muli %scan3A_608, %mul3A_696 : i32
        %get3A_698 = arith.constant 8 : i32
        %get3A_699 = arith.index_cast %get3A_698 : i32 to index
        %get3A_700 = arith.index_cast %mul3A_697 : i32 to index
        %get3A_701 = tpu.vector_load %arg9[%get3A_699, %get3A_700] {strides = array<i32>} : memref<10x768xf32, #tpu.memory_space<vmem>>, vector<1x16xf32>,
        %get3A_702 = vector.shape_cast %get3A_701 : vector<1x16xf32> to vector<16xf32>
        %mul3A_703 = arith.mulf %get3A_623, %get3A_702 : vector<16xf32>
        %add3A_704 = arith.addf %scan3A_617, %mul3A_703 : vector<16xf32>
        %mul3A_705 = arith.constant 16 : i32
        %mul3A_706 = arith.muli %scan3A_608, %mul3A_705 : i32
        %get3A_707 = arith.constant 9 : i32
        %get3A_708 = arith.index_cast %get3A_707 : i32 to index
        %get3A_709 = arith.index_cast %mul3A_706 : i32 to index
        %get3A_710 = tpu.vector_load %arg9[%get3A_708, %get3A_709] {strides = array<i32>} : memref<10x768xf32, #tpu.memory_space<vmem>>, vector<1x16xf32>,
        %get3A_711 = vector.shape_cast %get3A_710 : vector<1x16xf32> to vector<16xf32>
        %mul3A_712 = arith.mulf %get3A_623, %get3A_711 : vector<16xf32>
        %add3A_713 = arith.addf %scan3A_618, %mul3A_712 : vector<16xf32>
        %scan3A_714 = arith.constant 1 : i32
        %scan3A_715 = arith.addi %scan3A_608, %scan3A_714 : i32
        %mul3A_716 = arith.constant 16 : i32
        %mul3A_717 = arith.muli %scan3A_715, %mul3A_716 : i32
        %get3A_718 = arith.index_cast %mul3A_717 : i32 to index
        %get3A_719 = tpu.vector_load %arg8[%get3A_718] {strides = array<i32>} : memref<768xf32, #tpu.memory_space<vmem>>, vector<16xf32>,
        %get3A_720 = vector.shape_cast %get3A_719 : vector<16xf32> to vector<16xf32>
        %mul3A_721 = arith.constant 16 : i32
        %mul3A_722 = arith.muli %scan3A_715, %mul3A_721 : i32
        %get3A_723 = arith.constant 0 : i32
        %get3A_724 = arith.index_cast %get3A_723 : i32 to index
        %get3A_725 = arith.index_cast %mul3A_722 : i32 to index
        %get3A_726 = tpu.vector_load %arg9[%get3A_724, %get3A_725] {strides = array<i32>} : memref<10x768xf32, #tpu.memory_space<vmem>>, vector<1x16xf32>,
        %get3A_727 = vector.shape_cast %get3A_726 : vector<1x16xf32> to vector<16xf32>
        %mul3A_728 = arith.mulf %get3A_720, %get3A_727 : vector<16xf32>
        %add3A_729 = arith.addf %add3A_632, %mul3A_728 : vector<16xf32>
        %mul3A_730 = arith.constant 16 : i32
        %mul3A_731 = arith.muli %scan3A_715, %mul3A_730 : i32
        %get3A_732 = arith.constant 1 : i32
        %get3A_733 = arith.index_cast %get3A_732 : i32 to index
        %get3A_734 = arith.index_cast %mul3A_731 : i32 to index
        %get3A_735 = tpu.vector_load %arg9[%get3A_733, %get3A_734] {strides = array<i32>} : memref<10x768xf32, #tpu.memory_space<vmem>>, vector<1x16xf32>,
        %get3A_736 = vector.shape_cast %get3A_735 : vector<1x16xf32> to vector<16xf32>
        %mul3A_737 = arith.mulf %get3A_720, %get3A_736 : vector<16xf32>
        %add3A_738 = arith.addf %add3A_641, %mul3A_737 : vector<16xf32>
        %mul3A_739 = arith.constant 16 : i32
        %mul3A_740 = arith.muli %scan3A_715, %mul3A_739 : i32
        %get3A_741 = arith.constant 2 : i32
        %get3A_742 = arith.index_cast %get3A_741 : i32 to index
        %get3A_743 = arith.index_cast %mul3A_740 : i32 to index
        %get3A_744 = tpu.vector_load %arg9[%get3A_742, %get3A_743] {strides = array<i32>} : memref<10x768xf32, #tpu.memory_space<vmem>>, vector<1x16xf32>,
        %get3A_745 = vector.shape_cast %get3A_744 : vector<1x16xf32> to vector<16xf32>
        %mul3A_746 = arith.mulf %get3A_720, %get3A_745 : vector<16xf32>
        %add3A_747 = arith.addf %add3A_650, %mul3A_746 : vector<16xf32>
        %mul3A_748 = arith.constant 16 : i32
        %mul3A_749 = arith.muli %scan3A_715, %mul3A_748 : i32
        %get3A_750 = arith.constant 3 : i32
        %get3A_751 = arith.index_cast %get3A_750 : i32 to index
        %get3A_752 = arith.index_cast %mul3A_749 : i32 to index
        %get3A_753 = tpu.vector_load %arg9[%get3A_751, %get3A_752] {strides = array<i32>} : memref<10x768xf32, #tpu.memory_space<vmem>>, vector<1x16xf32>,
        %get3A_754 = vector.shape_cast %get3A_753 : vector<1x16xf32> to vector<16xf32>
        %mul3A_755 = arith.mulf %get3A_720, %get3A_754 : vector<16xf32>
        %add3A_756 = arith.addf %add3A_659, %mul3A_755 : vector<16xf32>
        %mul3A_757 = arith.constant 16 : i32
        %mul3A_758 = arith.muli %scan3A_715, %mul3A_757 : i32
        %get3A_759 = arith.constant 4 : i32
        %get3A_760 = arith.index_cast %get3A_759 : i32 to index
        %get3A_761 = arith.index_cast %mul3A_758 : i32 to index
        %get3A_762 = tpu.vector_load %arg9[%get3A_760, %get3A_761] {strides = array<i32>} : memref<10x768xf32, #tpu.memory_space<vmem>>, vector<1x16xf32>,
        %get3A_763 = vector.shape_cast %get3A_762 : vector<1x16xf32> to vector<16xf32>
        %mul3A_764 = arith.mulf %get3A_720, %get3A_763 : vector<16xf32>
        %add3A_765 = arith.addf %add3A_668, %mul3A_764 : vector<16xf32>
        %mul3A_766 = arith.constant 16 : i32
        %mul3A_767 = arith.muli %scan3A_715, %mul3A_766 : i32
        %get3A_768 = arith.constant 5 : i32
        %get3A_769 = arith.index_cast %get3A_768 : i32 to index
        %get3A_770 = arith.index_cast %mul3A_767 : i32 to index
        %get3A_771 = tpu.vector_load %arg9[%get3A_769, %get3A_770] {strides = array<i32>} : memref<10x768xf32, #tpu.memory_space<vmem>>, vector<1x16xf32>,
        %get3A_772 = vector.shape_cast %get3A_771 : vector<1x16xf32> to vector<16xf32>
        %mul3A_773 = arith.mulf %get3A_720, %get3A_772 : vector<16xf32>
        %add3A_774 = arith.addf %add3A_677, %mul3A_773 : vector<16xf32>
        %mul3A_775 = arith.constant 16 : i32
        %mul3A_776 = arith.muli %scan3A_715, %mul3A_775 : i32
        %get3A_777 = arith.constant 6 : i32
        %get3A_778 = arith.index_cast %get3A_777 : i32 to index
        %get3A_779 = arith.index_cast %mul3A_776 : i32 to index
        %get3A_780 = tpu.vector_load %arg9[%get3A_778, %get3A_779] {strides = array<i32>} : memref<10x768xf32, #tpu.memory_space<vmem>>, vector<1x16xf32>,
        %get3A_781 = vector.shape_cast %get3A_780 : vector<1x16xf32> to vector<16xf32>
        %mul3A_782 = arith.mulf %get3A_720, %get3A_781 : vector<16xf32>
        %add3A_783 = arith.addf %add3A_686, %mul3A_782 : vector<16xf32>
        %mul3A_784 = arith.constant 16 : i32
        %mul3A_785 = arith.muli %scan3A_715, %mul3A_784 : i32
        %get3A_786 = arith.constant 7 : i32
        %get3A_787 = arith.index_cast %get3A_786 : i32 to index
        %get3A_788 = arith.index_cast %mul3A_785 : i32 to index
        %get3A_789 = tpu.vector_load %arg9[%get3A_787, %get3A_788] {strides = array<i32>} : memref<10x768xf32, #tpu.memory_space<vmem>>, vector<1x16xf32>,
        %get3A_790 = vector.shape_cast %get3A_789 : vector<1x16xf32> to vector<16xf32>
        %mul3A_791 = arith.mulf %get3A_720, %get3A_790 : vector<16xf32>
        %add3A_792 = arith.addf %add3A_695, %mul3A_791 : vector<16xf32>
        %mul3A_793 = arith.constant 16 : i32
        %mul3A_794 = arith.muli %scan3A_715, %mul3A_793 : i32
        %get3A_795 = arith.constant 8 : i32
        %get3A_796 = arith.index_cast %get3A_795 : i32 to index
        %get3A_797 = arith.index_cast %mul3A_794 : i32 to index
        %get3A_798 = tpu.vector_load %arg9[%get3A_796, %get3A_797] {strides = array<i32>} : memref<10x768xf32, #tpu.memory_space<vmem>>, vector<1x16xf32>,
        %get3A_799 = vector.shape_cast %get3A_798 : vector<1x16xf32> to vector<16xf32>
        %mul3A_800 = arith.mulf %get3A_720, %get3A_799 : vector<16xf32>
        %add3A_801 = arith.addf %add3A_704, %mul3A_800 : vector<16xf32>
        %mul3A_802 = arith.constant 16 : i32
        %mul3A_803 = arith.muli %scan3A_715, %mul3A_802 : i32
        %get3A_804 = arith.constant 9 : i32
        %get3A_805 = arith.index_cast %get3A_804 : i32 to index
        %get3A_806 = arith.index_cast %mul3A_803 : i32 to index
        %get3A_807 = tpu.vector_load %arg9[%get3A_805, %get3A_806] {strides = array<i32>} : memref<10x768xf32, #tpu.memory_space<vmem>>, vector<1x16xf32>,
        %get3A_808 = vector.shape_cast %get3A_807 : vector<1x16xf32> to vector<16xf32>
        %mul3A_809 = arith.mulf %get3A_720, %get3A_808 : vector<16xf32>
        %add3A_810 = arith.addf %add3A_713, %mul3A_809 : vector<16xf32>
        %scan3A_811 = arith.constant 2 : i32
        %scan3A_812 = arith.addi %scan3A_608, %scan3A_811 : i32
        %mul3A_813 = arith.constant 16 : i32
        %mul3A_814 = arith.muli %scan3A_812, %mul3A_813 : i32
        %get3A_815 = arith.index_cast %mul3A_814 : i32 to index
        %get3A_816 = tpu.vector_load %arg8[%get3A_815] {strides = array<i32>} : memref<768xf32, #tpu.memory_space<vmem>>, vector<16xf32>,
        %get3A_817 = vector.shape_cast %get3A_816 : vector<16xf32> to vector<16xf32>
        %mul3A_818 = arith.constant 16 : i32
        %mul3A_819 = arith.muli %scan3A_812, %mul3A_818 : i32
        %get3A_820 = arith.constant 0 : i32
        %get3A_821 = arith.index_cast %get3A_820 : i32 to index
        %get3A_822 = arith.index_cast %mul3A_819 : i32 to index
        %get3A_823 = tpu.vector_load %arg9[%get3A_821, %get3A_822] {strides = array<i32>} : memref<10x768xf32, #tpu.memory_space<vmem>>, vector<1x16xf32>,
        %get3A_824 = vector.shape_cast %get3A_823 : vector<1x16xf32> to vector<16xf32>
        %mul3A_825 = arith.mulf %get3A_817, %get3A_824 : vector<16xf32>
        %add3A_826 = arith.addf %add3A_729, %mul3A_825 : vector<16xf32>
        %mul3A_827 = arith.constant 16 : i32
        %mul3A_828 = arith.muli %scan3A_812, %mul3A_827 : i32
        %get3A_829 = arith.constant 1 : i32
        %get3A_830 = arith.index_cast %get3A_829 : i32 to index
        %get3A_831 = arith.index_cast %mul3A_828 : i32 to index
        %get3A_832 = tpu.vector_load %arg9[%get3A_830, %get3A_831] {strides = array<i32>} : memref<10x768xf32, #tpu.memory_space<vmem>>, vector<1x16xf32>,
        %get3A_833 = vector.shape_cast %get3A_832 : vector<1x16xf32> to vector<16xf32>
        %mul3A_834 = arith.mulf %get3A_817, %get3A_833 : vector<16xf32>
        %add3A_835 = arith.addf %add3A_738, %mul3A_834 : vector<16xf32>
        %mul3A_836 = arith.constant 16 : i32
        %mul3A_837 = arith.muli %scan3A_812, %mul3A_836 : i32
        %get3A_838 = arith.constant 2 : i32
        %get3A_839 = arith.index_cast %get3A_838 : i32 to index
        %get3A_840 = arith.index_cast %mul3A_837 : i32 to index
        %get3A_841 = tpu.vector_load %arg9[%get3A_839, %get3A_840] {strides = array<i32>} : memref<10x768xf32, #tpu.memory_space<vmem>>, vector<1x16xf32>,
        %get3A_842 = vector.shape_cast %get3A_841 : vector<1x16xf32> to vector<16xf32>
        %mul3A_843 = arith.mulf %get3A_817, %get3A_842 : vector<16xf32>
        %add3A_844 = arith.addf %add3A_747, %mul3A_843 : vector<16xf32>
        %mul3A_845 = arith.constant 16 : i32
        %mul3A_846 = arith.muli %scan3A_812, %mul3A_845 : i32
        %get3A_847 = arith.constant 3 : i32
        %get3A_848 = arith.index_cast %get3A_847 : i32 to index
        %get3A_849 = arith.index_cast %mul3A_846 : i32 to index
        %get3A_850 = tpu.vector_load %arg9[%get3A_848, %get3A_849] {strides = array<i32>} : memref<10x768xf32, #tpu.memory_space<vmem>>, vector<1x16xf32>,
        %get3A_851 = vector.shape_cast %get3A_850 : vector<1x16xf32> to vector<16xf32>
        %mul3A_852 = arith.mulf %get3A_817, %get3A_851 : vector<16xf32>
        %add3A_853 = arith.addf %add3A_756, %mul3A_852 : vector<16xf32>
        %mul3A_854 = arith.constant 16 : i32
        %mul3A_855 = arith.muli %scan3A_812, %mul3A_854 : i32
        %get3A_856 = arith.constant 4 : i32
        %get3A_857 = arith.index_cast %get3A_856 : i32 to index
        %get3A_858 = arith.index_cast %mul3A_855 : i32 to index
        %get3A_859 = tpu.vector_load %arg9[%get3A_857, %get3A_858] {strides = array<i32>} : memref<10x768xf32, #tpu.memory_space<vmem>>, vector<1x16xf32>,
        %get3A_860 = vector.shape_cast %get3A_859 : vector<1x16xf32> to vector<16xf32>
        %mul3A_861 = arith.mulf %get3A_817, %get3A_860 : vector<16xf32>
        %add3A_862 = arith.addf %add3A_765, %mul3A_861 : vector<16xf32>
        %mul3A_863 = arith.constant 16 : i32
        %mul3A_864 = arith.muli %scan3A_812, %mul3A_863 : i32
        %get3A_865 = arith.constant 5 : i32
        %get3A_866 = arith.index_cast %get3A_865 : i32 to index
        %get3A_867 = arith.index_cast %mul3A_864 : i32 to index
        %get3A_868 = tpu.vector_load %arg9[%get3A_866, %get3A_867] {strides = array<i32>} : memref<10x768xf32, #tpu.memory_space<vmem>>, vector<1x16xf32>,
        %get3A_869 = vector.shape_cast %get3A_868 : vector<1x16xf32> to vector<16xf32>
        %mul3A_870 = arith.mulf %get3A_817, %get3A_869 : vector<16xf32>
        %add3A_871 = arith.addf %add3A_774, %mul3A_870 : vector<16xf32>
        %mul3A_872 = arith.constant 16 : i32
        %mul3A_873 = arith.muli %scan3A_812, %mul3A_872 : i32
        %get3A_874 = arith.constant 6 : i32
        %get3A_875 = arith.index_cast %get3A_874 : i32 to index
        %get3A_876 = arith.index_cast %mul3A_873 : i32 to index
        %get3A_877 = tpu.vector_load %arg9[%get3A_875, %get3A_876] {strides = array<i32>} : memref<10x768xf32, #tpu.memory_space<vmem>>, vector<1x16xf32>,
        %get3A_878 = vector.shape_cast %get3A_877 : vector<1x16xf32> to vector<16xf32>
        %mul3A_879 = arith.mulf %get3A_817, %get3A_878 : vector<16xf32>
        %add3A_880 = arith.addf %add3A_783, %mul3A_879 : vector<16xf32>
        %mul3A_881 = arith.constant 16 : i32
        %mul3A_882 = arith.muli %scan3A_812, %mul3A_881 : i32
        %get3A_883 = arith.constant 7 : i32
        %get3A_884 = arith.index_cast %get3A_883 : i32 to index
        %get3A_885 = arith.index_cast %mul3A_882 : i32 to index
        %get3A_886 = tpu.vector_load %arg9[%get3A_884, %get3A_885] {strides = array<i32>} : memref<10x768xf32, #tpu.memory_space<vmem>>, vector<1x16xf32>,
        %get3A_887 = vector.shape_cast %get3A_886 : vector<1x16xf32> to vector<16xf32>
        %mul3A_888 = arith.mulf %get3A_817, %get3A_887 : vector<16xf32>
        %add3A_889 = arith.addf %add3A_792, %mul3A_888 : vector<16xf32>
        %mul3A_890 = arith.constant 16 : i32
        %mul3A_891 = arith.muli %scan3A_812, %mul3A_890 : i32
        %get3A_892 = arith.constant 8 : i32
        %get3A_893 = arith.index_cast %get3A_892 : i32 to index
        %get3A_894 = arith.index_cast %mul3A_891 : i32 to index
        %get3A_895 = tpu.vector_load %arg9[%get3A_893, %get3A_894] {strides = array<i32>} : memref<10x768xf32, #tpu.memory_space<vmem>>, vector<1x16xf32>,
        %get3A_896 = vector.shape_cast %get3A_895 : vector<1x16xf32> to vector<16xf32>
        %mul3A_897 = arith.mulf %get3A_817, %get3A_896 : vector<16xf32>
        %add3A_898 = arith.addf %add3A_801, %mul3A_897 : vector<16xf32>
        %mul3A_899 = arith.constant 16 : i32
        %mul3A_900 = arith.muli %scan3A_812, %mul3A_899 : i32
        %get3A_901 = arith.constant 9 : i32
        %get3A_902 = arith.index_cast %get3A_901 : i32 to index
        %get3A_903 = arith.index_cast %mul3A_900 : i32 to index
        %get3A_904 = tpu.vector_load %arg9[%get3A_902, %get3A_903] {strides = array<i32>} : memref<10x768xf32, #tpu.memory_space<vmem>>, vector<1x16xf32>,
        %get3A_905 = vector.shape_cast %get3A_904 : vector<1x16xf32> to vector<16xf32>
        %mul3A_906 = arith.mulf %get3A_817, %get3A_905 : vector<16xf32>
        %add3A_907 = arith.addf %add3A_810, %mul3A_906 : vector<16xf32>
        %scan3A_908 = arith.constant 3 : i32
        %scan3A_909 = arith.addi %scan3A_608, %scan3A_908 : i32
        %mul3A_910 = arith.constant 16 : i32
        %mul3A_911 = arith.muli %scan3A_909, %mul3A_910 : i32
        %get3A_912 = arith.index_cast %mul3A_911 : i32 to index
        %get3A_913 = tpu.vector_load %arg8[%get3A_912] {strides = array<i32>} : memref<768xf32, #tpu.memory_space<vmem>>, vector<16xf32>,
        %get3A_914 = vector.shape_cast %get3A_913 : vector<16xf32> to vector<16xf32>
        %mul3A_915 = arith.constant 16 : i32
        %mul3A_916 = arith.muli %scan3A_909, %mul3A_915 : i32
        %get3A_917 = arith.constant 0 : i32
        %get3A_918 = arith.index_cast %get3A_917 : i32 to index
        %get3A_919 = arith.index_cast %mul3A_916 : i32 to index
        %get3A_920 = tpu.vector_load %arg9[%get3A_918, %get3A_919] {strides = array<i32>} : memref<10x768xf32, #tpu.memory_space<vmem>>, vector<1x16xf32>,
        %get3A_921 = vector.shape_cast %get3A_920 : vector<1x16xf32> to vector<16xf32>
        %mul3A_922 = arith.mulf %get3A_914, %get3A_921 : vector<16xf32>
        %add3A_923 = arith.addf %add3A_826, %mul3A_922 : vector<16xf32>
        %mul3A_924 = arith.constant 16 : i32
        %mul3A_925 = arith.muli %scan3A_909, %mul3A_924 : i32
        %get3A_926 = arith.constant 1 : i32
        %get3A_927 = arith.index_cast %get3A_926 : i32 to index
        %get3A_928 = arith.index_cast %mul3A_925 : i32 to index
        %get3A_929 = tpu.vector_load %arg9[%get3A_927, %get3A_928] {strides = array<i32>} : memref<10x768xf32, #tpu.memory_space<vmem>>, vector<1x16xf32>,
        %get3A_930 = vector.shape_cast %get3A_929 : vector<1x16xf32> to vector<16xf32>
        %mul3A_931 = arith.mulf %get3A_914, %get3A_930 : vector<16xf32>
        %add3A_932 = arith.addf %add3A_835, %mul3A_931 : vector<16xf32>
        %mul3A_933 = arith.constant 16 : i32
        %mul3A_934 = arith.muli %scan3A_909, %mul3A_933 : i32
        %get3A_935 = arith.constant 2 : i32
        %get3A_936 = arith.index_cast %get3A_935 : i32 to index
        %get3A_937 = arith.index_cast %mul3A_934 : i32 to index
        %get3A_938 = tpu.vector_load %arg9[%get3A_936, %get3A_937] {strides = array<i32>} : memref<10x768xf32, #tpu.memory_space<vmem>>, vector<1x16xf32>,
        %get3A_939 = vector.shape_cast %get3A_938 : vector<1x16xf32> to vector<16xf32>
        %mul3A_940 = arith.mulf %get3A_914, %get3A_939 : vector<16xf32>
        %add3A_941 = arith.addf %add3A_844, %mul3A_940 : vector<16xf32>
        %mul3A_942 = arith.constant 16 : i32
        %mul3A_943 = arith.muli %scan3A_909, %mul3A_942 : i32
        %get3A_944 = arith.constant 3 : i32
        %get3A_945 = arith.index_cast %get3A_944 : i32 to index
        %get3A_946 = arith.index_cast %mul3A_943 : i32 to index
        %get3A_947 = tpu.vector_load %arg9[%get3A_945, %get3A_946] {strides = array<i32>} : memref<10x768xf32, #tpu.memory_space<vmem>>, vector<1x16xf32>,
        %get3A_948 = vector.shape_cast %get3A_947 : vector<1x16xf32> to vector<16xf32>
        %mul3A_949 = arith.mulf %get3A_914, %get3A_948 : vector<16xf32>
        %add3A_950 = arith.addf %add3A_853, %mul3A_949 : vector<16xf32>
        %mul3A_951 = arith.constant 16 : i32
        %mul3A_952 = arith.muli %scan3A_909, %mul3A_951 : i32
        %get3A_953 = arith.constant 4 : i32
        %get3A_954 = arith.index_cast %get3A_953 : i32 to index
        %get3A_955 = arith.index_cast %mul3A_952 : i32 to index
        %get3A_956 = tpu.vector_load %arg9[%get3A_954, %get3A_955] {strides = array<i32>} : memref<10x768xf32, #tpu.memory_space<vmem>>, vector<1x16xf32>,
        %get3A_957 = vector.shape_cast %get3A_956 : vector<1x16xf32> to vector<16xf32>
        %mul3A_958 = arith.mulf %get3A_914, %get3A_957 : vector<16xf32>
        %add3A_959 = arith.addf %add3A_862, %mul3A_958 : vector<16xf32>
        %mul3A_960 = arith.constant 16 : i32
        %mul3A_961 = arith.muli %scan3A_909, %mul3A_960 : i32
        %get3A_962 = arith.constant 5 : i32
        %get3A_963 = arith.index_cast %get3A_962 : i32 to index
        %get3A_964 = arith.index_cast %mul3A_961 : i32 to index
        %get3A_965 = tpu.vector_load %arg9[%get3A_963, %get3A_964] {strides = array<i32>} : memref<10x768xf32, #tpu.memory_space<vmem>>, vector<1x16xf32>,
        %get3A_966 = vector.shape_cast %get3A_965 : vector<1x16xf32> to vector<16xf32>
        %mul3A_967 = arith.mulf %get3A_914, %get3A_966 : vector<16xf32>
        %add3A_968 = arith.addf %add3A_871, %mul3A_967 : vector<16xf32>
        %mul3A_969 = arith.constant 16 : i32
        %mul3A_970 = arith.muli %scan3A_909, %mul3A_969 : i32
        %get3A_971 = arith.constant 6 : i32
        %get3A_972 = arith.index_cast %get3A_971 : i32 to index
        %get3A_973 = arith.index_cast %mul3A_970 : i32 to index
        %get3A_974 = tpu.vector_load %arg9[%get3A_972, %get3A_973] {strides = array<i32>} : memref<10x768xf32, #tpu.memory_space<vmem>>, vector<1x16xf32>,
        %get3A_975 = vector.shape_cast %get3A_974 : vector<1x16xf32> to vector<16xf32>
        %mul3A_976 = arith.mulf %get3A_914, %get3A_975 : vector<16xf32>
        %add3A_977 = arith.addf %add3A_880, %mul3A_976 : vector<16xf32>
        %mul3A_978 = arith.constant 16 : i32
        %mul3A_979 = arith.muli %scan3A_909, %mul3A_978 : i32
        %get3A_980 = arith.constant 7 : i32
        %get3A_981 = arith.index_cast %get3A_980 : i32 to index
        %get3A_982 = arith.index_cast %mul3A_979 : i32 to index
        %get3A_983 = tpu.vector_load %arg9[%get3A_981, %get3A_982] {strides = array<i32>} : memref<10x768xf32, #tpu.memory_space<vmem>>, vector<1x16xf32>,
        %get3A_984 = vector.shape_cast %get3A_983 : vector<1x16xf32> to vector<16xf32>
        %mul3A_985 = arith.mulf %get3A_914, %get3A_984 : vector<16xf32>
        %add3A_986 = arith.addf %add3A_889, %mul3A_985 : vector<16xf32>
        %mul3A_987 = arith.constant 16 : i32
        %mul3A_988 = arith.muli %scan3A_909, %mul3A_987 : i32
        %get3A_989 = arith.constant 8 : i32
        %get3A_990 = arith.index_cast %get3A_989 : i32 to index
        %get3A_991 = arith.index_cast %mul3A_988 : i32 to index
        %get3A_992 = tpu.vector_load %arg9[%get3A_990, %get3A_991] {strides = array<i32>} : memref<10x768xf32, #tpu.memory_space<vmem>>, vector<1x16xf32>,
        %get3A_993 = vector.shape_cast %get3A_992 : vector<1x16xf32> to vector<16xf32>
        %mul3A_994 = arith.mulf %get3A_914, %get3A_993 : vector<16xf32>
        %add3A_995 = arith.addf %add3A_898, %mul3A_994 : vector<16xf32>
        %mul3A_996 = arith.constant 16 : i32
        %mul3A_997 = arith.muli %scan3A_909, %mul3A_996 : i32
        %get3A_998 = arith.constant 9 : i32
        %get3A_999 = arith.index_cast %get3A_998 : i32 to index
        %get3A_1000 = arith.index_cast %mul3A_997 : i32 to index
        %get3A_1001 = tpu.vector_load %arg9[%get3A_999, %get3A_1000] {strides = array<i32>} : memref<10x768xf32, #tpu.memory_space<vmem>>, vector<1x16xf32>,
        %get3A_1002 = vector.shape_cast %get3A_1001 : vector<1x16xf32> to vector<16xf32>
        %mul3A_1003 = arith.mulf %get3A_914, %get3A_1002 : vector<16xf32>
        %add3A_1004 = arith.addf %add3A_907, %mul3A_1003 : vector<16xf32>
        %scan3A_1005 = arith.constant 4 : i32
        %scan3A_1006 = arith.addi %scan3A_608, %scan3A_1005 : i32
        %mul3A_1007 = arith.constant 16 : i32
        %mul3A_1008 = arith.muli %scan3A_1006, %mul3A_1007 : i32
        %get3A_1009 = arith.index_cast %mul3A_1008 : i32 to index
        %get3A_1010 = tpu.vector_load %arg8[%get3A_1009] {strides = array<i32>} : memref<768xf32, #tpu.memory_space<vmem>>, vector<16xf32>,
        %get3A_1011 = vector.shape_cast %get3A_1010 : vector<16xf32> to vector<16xf32>
        %mul3A_1012 = arith.constant 16 : i32
        %mul3A_1013 = arith.muli %scan3A_1006, %mul3A_1012 : i32
        %get3A_1014 = arith.constant 0 : i32
        %get3A_1015 = arith.index_cast %get3A_1014 : i32 to index
        %get3A_1016 = arith.index_cast %mul3A_1013 : i32 to index
        %get3A_1017 = tpu.vector_load %arg9[%get3A_1015, %get3A_1016] {strides = array<i32>} : memref<10x768xf32, #tpu.memory_space<vmem>>, vector<1x16xf32>,
        %get3A_1018 = vector.shape_cast %get3A_1017 : vector<1x16xf32> to vector<16xf32>
        %mul3A_1019 = arith.mulf %get3A_1011, %get3A_1018 : vector<16xf32>
        %add3A_1020 = arith.addf %add3A_923, %mul3A_1019 : vector<16xf32>
        %mul3A_1021 = arith.constant 16 : i32
        %mul3A_1022 = arith.muli %scan3A_1006, %mul3A_1021 : i32
        %get3A_1023 = arith.constant 1 : i32
        %get3A_1024 = arith.index_cast %get3A_1023 : i32 to index
        %get3A_1025 = arith.index_cast %mul3A_1022 : i32 to index
        %get3A_1026 = tpu.vector_load %arg9[%get3A_1024, %get3A_1025] {strides = array<i32>} : memref<10x768xf32, #tpu.memory_space<vmem>>, vector<1x16xf32>,
        %get3A_1027 = vector.shape_cast %get3A_1026 : vector<1x16xf32> to vector<16xf32>
        %mul3A_1028 = arith.mulf %get3A_1011, %get3A_1027 : vector<16xf32>
        %add3A_1029 = arith.addf %add3A_932, %mul3A_1028 : vector<16xf32>
        %mul3A_1030 = arith.constant 16 : i32
        %mul3A_1031 = arith.muli %scan3A_1006, %mul3A_1030 : i32
        %get3A_1032 = arith.constant 2 : i32
        %get3A_1033 = arith.index_cast %get3A_1032 : i32 to index
        %get3A_1034 = arith.index_cast %mul3A_1031 : i32 to index
        %get3A_1035 = tpu.vector_load %arg9[%get3A_1033, %get3A_1034] {strides = array<i32>} : memref<10x768xf32, #tpu.memory_space<vmem>>, vector<1x16xf32>,
        %get3A_1036 = vector.shape_cast %get3A_1035 : vector<1x16xf32> to vector<16xf32>
        %mul3A_1037 = arith.mulf %get3A_1011, %get3A_1036 : vector<16xf32>
        %add3A_1038 = arith.addf %add3A_941, %mul3A_1037 : vector<16xf32>
        %mul3A_1039 = arith.constant 16 : i32
        %mul3A_1040 = arith.muli %scan3A_1006, %mul3A_1039 : i32
        %get3A_1041 = arith.constant 3 : i32
        %get3A_1042 = arith.index_cast %get3A_1041 : i32 to index
        %get3A_1043 = arith.index_cast %mul3A_1040 : i32 to index
        %get3A_1044 = tpu.vector_load %arg9[%get3A_1042, %get3A_1043] {strides = array<i32>} : memref<10x768xf32, #tpu.memory_space<vmem>>, vector<1x16xf32>,
        %get3A_1045 = vector.shape_cast %get3A_1044 : vector<1x16xf32> to vector<16xf32>
        %mul3A_1046 = arith.mulf %get3A_1011, %get3A_1045 : vector<16xf32>
        %add3A_1047 = arith.addf %add3A_950, %mul3A_1046 : vector<16xf32>
        %mul3A_1048 = arith.constant 16 : i32
        %mul3A_1049 = arith.muli %scan3A_1006, %mul3A_1048 : i32
        %get3A_1050 = arith.constant 4 : i32
        %get3A_1051 = arith.index_cast %get3A_1050 : i32 to index
        %get3A_1052 = arith.index_cast %mul3A_1049 : i32 to index
        %get3A_1053 = tpu.vector_load %arg9[%get3A_1051, %get3A_1052] {strides = array<i32>} : memref<10x768xf32, #tpu.memory_space<vmem>>, vector<1x16xf32>,
        %get3A_1054 = vector.shape_cast %get3A_1053 : vector<1x16xf32> to vector<16xf32>
        %mul3A_1055 = arith.mulf %get3A_1011, %get3A_1054 : vector<16xf32>
        %add3A_1056 = arith.addf %add3A_959, %mul3A_1055 : vector<16xf32>
        %mul3A_1057 = arith.constant 16 : i32
        %mul3A_1058 = arith.muli %scan3A_1006, %mul3A_1057 : i32
        %get3A_1059 = arith.constant 5 : i32
        %get3A_1060 = arith.index_cast %get3A_1059 : i32 to index
        %get3A_1061 = arith.index_cast %mul3A_1058 : i32 to index
        %get3A_1062 = tpu.vector_load %arg9[%get3A_1060, %get3A_1061] {strides = array<i32>} : memref<10x768xf32, #tpu.memory_space<vmem>>, vector<1x16xf32>,
        %get3A_1063 = vector.shape_cast %get3A_1062 : vector<1x16xf32> to vector<16xf32>
        %mul3A_1064 = arith.mulf %get3A_1011, %get3A_1063 : vector<16xf32>
        %add3A_1065 = arith.addf %add3A_968, %mul3A_1064 : vector<16xf32>
        %mul3A_1066 = arith.constant 16 : i32
        %mul3A_1067 = arith.muli %scan3A_1006, %mul3A_1066 : i32
        %get3A_1068 = arith.constant 6 : i32
        %get3A_1069 = arith.index_cast %get3A_1068 : i32 to index
        %get3A_1070 = arith.index_cast %mul3A_1067 : i32 to index
        %get3A_1071 = tpu.vector_load %arg9[%get3A_1069, %get3A_1070] {strides = array<i32>} : memref<10x768xf32, #tpu.memory_space<vmem>>, vector<1x16xf32>,
        %get3A_1072 = vector.shape_cast %get3A_1071 : vector<1x16xf32> to vector<16xf32>
        %mul3A_1073 = arith.mulf %get3A_1011, %get3A_1072 : vector<16xf32>
        %add3A_1074 = arith.addf %add3A_977, %mul3A_1073 : vector<16xf32>
        %mul3A_1075 = arith.constant 16 : i32
        %mul3A_1076 = arith.muli %scan3A_1006, %mul3A_1075 : i32
        %get3A_1077 = arith.constant 7 : i32
        %get3A_1078 = arith.index_cast %get3A_1077 : i32 to index
        %get3A_1079 = arith.index_cast %mul3A_1076 : i32 to index
        %get3A_1080 = tpu.vector_load %arg9[%get3A_1078, %get3A_1079] {strides = array<i32>} : memref<10x768xf32, #tpu.memory_space<vmem>>, vector<1x16xf32>,
        %get3A_1081 = vector.shape_cast %get3A_1080 : vector<1x16xf32> to vector<16xf32>
        %mul3A_1082 = arith.mulf %get3A_1011, %get3A_1081 : vector<16xf32>
        %add3A_1083 = arith.addf %add3A_986, %mul3A_1082 : vector<16xf32>
        %mul3A_1084 = arith.constant 16 : i32
        %mul3A_1085 = arith.muli %scan3A_1006, %mul3A_1084 : i32
        %get3A_1086 = arith.constant 8 : i32
        %get3A_1087 = arith.index_cast %get3A_1086 : i32 to index
        %get3A_1088 = arith.index_cast %mul3A_1085 : i32 to index
        %get3A_1089 = tpu.vector_load %arg9[%get3A_1087, %get3A_1088] {strides = array<i32>} : memref<10x768xf32, #tpu.memory_space<vmem>>, vector<1x16xf32>,
        %get3A_1090 = vector.shape_cast %get3A_1089 : vector<1x16xf32> to vector<16xf32>
        %mul3A_1091 = arith.mulf %get3A_1011, %get3A_1090 : vector<16xf32>
        %add3A_1092 = arith.addf %add3A_995, %mul3A_1091 : vector<16xf32>
        %mul3A_1093 = arith.constant 16 : i32
        %mul3A_1094 = arith.muli %scan3A_1006, %mul3A_1093 : i32
        %get3A_1095 = arith.constant 9 : i32
        %get3A_1096 = arith.index_cast %get3A_1095 : i32 to index
        %get3A_1097 = arith.index_cast %mul3A_1094 : i32 to index
        %get3A_1098 = tpu.vector_load %arg9[%get3A_1096, %get3A_1097] {strides = array<i32>} : memref<10x768xf32, #tpu.memory_space<vmem>>, vector<1x16xf32>,
        %get3A_1099 = vector.shape_cast %get3A_1098 : vector<1x16xf32> to vector<16xf32>
        %mul3A_1100 = arith.mulf %get3A_1011, %get3A_1099 : vector<16xf32>
        %add3A_1101 = arith.addf %add3A_1004, %mul3A_1100 : vector<16xf32>
        %scan3A_1102 = arith.constant 5 : i32
        %scan3A_1103 = arith.addi %scan3A_608, %scan3A_1102 : i32
        %mul3A_1104 = arith.constant 16 : i32
        %mul3A_1105 = arith.muli %scan3A_1103, %mul3A_1104 : i32
        %get3A_1106 = arith.index_cast %mul3A_1105 : i32 to index
        %get3A_1107 = tpu.vector_load %arg8[%get3A_1106] {strides = array<i32>} : memref<768xf32, #tpu.memory_space<vmem>>, vector<16xf32>,
        %get3A_1108 = vector.shape_cast %get3A_1107 : vector<16xf32> to vector<16xf32>
        %mul3A_1109 = arith.constant 16 : i32
        %mul3A_1110 = arith.muli %scan3A_1103, %mul3A_1109 : i32
        %get3A_1111 = arith.constant 0 : i32
        %get3A_1112 = arith.index_cast %get3A_1111 : i32 to index
        %get3A_1113 = arith.index_cast %mul3A_1110 : i32 to index
        %get3A_1114 = tpu.vector_load %arg9[%get3A_1112, %get3A_1113] {strides = array<i32>} : memref<10x768xf32, #tpu.memory_space<vmem>>, vector<1x16xf32>,
        %get3A_1115 = vector.shape_cast %get3A_1114 : vector<1x16xf32> to vector<16xf32>
        %mul3A_1116 = arith.mulf %get3A_1108, %get3A_1115 : vector<16xf32>
        %add3A_1117 = arith.addf %add3A_1020, %mul3A_1116 : vector<16xf32>
        %mul3A_1118 = arith.constant 16 : i32
        %mul3A_1119 = arith.muli %scan3A_1103, %mul3A_1118 : i32
        %get3A_1120 = arith.constant 1 : i32
        %get3A_1121 = arith.index_cast %get3A_1120 : i32 to index
        %get3A_1122 = arith.index_cast %mul3A_1119 : i32 to index
        %get3A_1123 = tpu.vector_load %arg9[%get3A_1121, %get3A_1122] {strides = array<i32>} : memref<10x768xf32, #tpu.memory_space<vmem>>, vector<1x16xf32>,
        %get3A_1124 = vector.shape_cast %get3A_1123 : vector<1x16xf32> to vector<16xf32>
        %mul3A_1125 = arith.mulf %get3A_1108, %get3A_1124 : vector<16xf32>
        %add3A_1126 = arith.addf %add3A_1029, %mul3A_1125 : vector<16xf32>
        %mul3A_1127 = arith.constant 16 : i32
        %mul3A_1128 = arith.muli %scan3A_1103, %mul3A_1127 : i32
        %get3A_1129 = arith.constant 2 : i32
        %get3A_1130 = arith.index_cast %get3A_1129 : i32 to index
        %get3A_1131 = arith.index_cast %mul3A_1128 : i32 to index
        %get3A_1132 = tpu.vector_load %arg9[%get3A_1130, %get3A_1131] {strides = array<i32>} : memref<10x768xf32, #tpu.memory_space<vmem>>, vector<1x16xf32>,
        %get3A_1133 = vector.shape_cast %get3A_1132 : vector<1x16xf32> to vector<16xf32>
        %mul3A_1134 = arith.mulf %get3A_1108, %get3A_1133 : vector<16xf32>
        %add3A_1135 = arith.addf %add3A_1038, %mul3A_1134 : vector<16xf32>
        %mul3A_1136 = arith.constant 16 : i32
        %mul3A_1137 = arith.muli %scan3A_1103, %mul3A_1136 : i32
        %get3A_1138 = arith.constant 3 : i32
        %get3A_1139 = arith.index_cast %get3A_1138 : i32 to index
        %get3A_1140 = arith.index_cast %mul3A_1137 : i32 to index
        %get3A_1141 = tpu.vector_load %arg9[%get3A_1139, %get3A_1140] {strides = array<i32>} : memref<10x768xf32, #tpu.memory_space<vmem>>, vector<1x16xf32>,
        %get3A_1142 = vector.shape_cast %get3A_1141 : vector<1x16xf32> to vector<16xf32>
        %mul3A_1143 = arith.mulf %get3A_1108, %get3A_1142 : vector<16xf32>
        %add3A_1144 = arith.addf %add3A_1047, %mul3A_1143 : vector<16xf32>
        %mul3A_1145 = arith.constant 16 : i32
        %mul3A_1146 = arith.muli %scan3A_1103, %mul3A_1145 : i32
        %get3A_1147 = arith.constant 4 : i32
        %get3A_1148 = arith.index_cast %get3A_1147 : i32 to index
        %get3A_1149 = arith.index_cast %mul3A_1146 : i32 to index
        %get3A_1150 = tpu.vector_load %arg9[%get3A_1148, %get3A_1149] {strides = array<i32>} : memref<10x768xf32, #tpu.memory_space<vmem>>, vector<1x16xf32>,
        %get3A_1151 = vector.shape_cast %get3A_1150 : vector<1x16xf32> to vector<16xf32>
        %mul3A_1152 = arith.mulf %get3A_1108, %get3A_1151 : vector<16xf32>
        %add3A_1153 = arith.addf %add3A_1056, %mul3A_1152 : vector<16xf32>
        %mul3A_1154 = arith.constant 16 : i32
        %mul3A_1155 = arith.muli %scan3A_1103, %mul3A_1154 : i32
        %get3A_1156 = arith.constant 5 : i32
        %get3A_1157 = arith.index_cast %get3A_1156 : i32 to index
        %get3A_1158 = arith.index_cast %mul3A_1155 : i32 to index
        %get3A_1159 = tpu.vector_load %arg9[%get3A_1157, %get3A_1158] {strides = array<i32>} : memref<10x768xf32, #tpu.memory_space<vmem>>, vector<1x16xf32>,
        %get3A_1160 = vector.shape_cast %get3A_1159 : vector<1x16xf32> to vector<16xf32>
        %mul3A_1161 = arith.mulf %get3A_1108, %get3A_1160 : vector<16xf32>
        %add3A_1162 = arith.addf %add3A_1065, %mul3A_1161 : vector<16xf32>
        %mul3A_1163 = arith.constant 16 : i32
        %mul3A_1164 = arith.muli %scan3A_1103, %mul3A_1163 : i32
        %get3A_1165 = arith.constant 6 : i32
        %get3A_1166 = arith.index_cast %get3A_1165 : i32 to index
        %get3A_1167 = arith.index_cast %mul3A_1164 : i32 to index
        %get3A_1168 = tpu.vector_load %arg9[%get3A_1166, %get3A_1167] {strides = array<i32>} : memref<10x768xf32, #tpu.memory_space<vmem>>, vector<1x16xf32>,
        %get3A_1169 = vector.shape_cast %get3A_1168 : vector<1x16xf32> to vector<16xf32>
        %mul3A_1170 = arith.mulf %get3A_1108, %get3A_1169 : vector<16xf32>
        %add3A_1171 = arith.addf %add3A_1074, %mul3A_1170 : vector<16xf32>
        %mul3A_1172 = arith.constant 16 : i32
        %mul3A_1173 = arith.muli %scan3A_1103, %mul3A_1172 : i32
        %get3A_1174 = arith.constant 7 : i32
        %get3A_1175 = arith.index_cast %get3A_1174 : i32 to index
        %get3A_1176 = arith.index_cast %mul3A_1173 : i32 to index
        %get3A_1177 = tpu.vector_load %arg9[%get3A_1175, %get3A_1176] {strides = array<i32>} : memref<10x768xf32, #tpu.memory_space<vmem>>, vector<1x16xf32>,
        %get3A_1178 = vector.shape_cast %get3A_1177 : vector<1x16xf32> to vector<16xf32>
        %mul3A_1179 = arith.mulf %get3A_1108, %get3A_1178 : vector<16xf32>
        %add3A_1180 = arith.addf %add3A_1083, %mul3A_1179 : vector<16xf32>
        %mul3A_1181 = arith.constant 16 : i32
        %mul3A_1182 = arith.muli %scan3A_1103, %mul3A_1181 : i32
        %get3A_1183 = arith.constant 8 : i32
        %get3A_1184 = arith.index_cast %get3A_1183 : i32 to index
        %get3A_1185 = arith.index_cast %mul3A_1182 : i32 to index
        %get3A_1186 = tpu.vector_load %arg9[%get3A_1184, %get3A_1185] {strides = array<i32>} : memref<10x768xf32, #tpu.memory_space<vmem>>, vector<1x16xf32>,
        %get3A_1187 = vector.shape_cast %get3A_1186 : vector<1x16xf32> to vector<16xf32>
        %mul3A_1188 = arith.mulf %get3A_1108, %get3A_1187 : vector<16xf32>
        %add3A_1189 = arith.addf %add3A_1092, %mul3A_1188 : vector<16xf32>
        %mul3A_1190 = arith.constant 16 : i32
        %mul3A_1191 = arith.muli %scan3A_1103, %mul3A_1190 : i32
        %get3A_1192 = arith.constant 9 : i32
        %get3A_1193 = arith.index_cast %get3A_1192 : i32 to index
        %get3A_1194 = arith.index_cast %mul3A_1191 : i32 to index
        %get3A_1195 = tpu.vector_load %arg9[%get3A_1193, %get3A_1194] {strides = array<i32>} : memref<10x768xf32, #tpu.memory_space<vmem>>, vector<1x16xf32>,
        %get3A_1196 = vector.shape_cast %get3A_1195 : vector<1x16xf32> to vector<16xf32>
        %mul3A_1197 = arith.mulf %get3A_1108, %get3A_1196 : vector<16xf32>
        %add3A_1198 = arith.addf %add3A_1101, %mul3A_1197 : vector<16xf32>
        %scan3A_1199 = arith.constant 6 : i32
        %scan3A_1200 = arith.addi %scan3A_608, %scan3A_1199 : i32
        %mul3A_1201 = arith.constant 16 : i32
        %mul3A_1202 = arith.muli %scan3A_1200, %mul3A_1201 : i32
        %get3A_1203 = arith.index_cast %mul3A_1202 : i32 to index
        %get3A_1204 = tpu.vector_load %arg8[%get3A_1203] {strides = array<i32>} : memref<768xf32, #tpu.memory_space<vmem>>, vector<16xf32>,
        %get3A_1205 = vector.shape_cast %get3A_1204 : vector<16xf32> to vector<16xf32>
        %mul3A_1206 = arith.constant 16 : i32
        %mul3A_1207 = arith.muli %scan3A_1200, %mul3A_1206 : i32
        %get3A_1208 = arith.constant 0 : i32
        %get3A_1209 = arith.index_cast %get3A_1208 : i32 to index
        %get3A_1210 = arith.index_cast %mul3A_1207 : i32 to index
        %get3A_1211 = tpu.vector_load %arg9[%get3A_1209, %get3A_1210] {strides = array<i32>} : memref<10x768xf32, #tpu.memory_space<vmem>>, vector<1x16xf32>,
        %get3A_1212 = vector.shape_cast %get3A_1211 : vector<1x16xf32> to vector<16xf32>
        %mul3A_1213 = arith.mulf %get3A_1205, %get3A_1212 : vector<16xf32>
        %add3A_1214 = arith.addf %add3A_1117, %mul3A_1213 : vector<16xf32>
        %mul3A_1215 = arith.constant 16 : i32
        %mul3A_1216 = arith.muli %scan3A_1200, %mul3A_1215 : i32
        %get3A_1217 = arith.constant 1 : i32
        %get3A_1218 = arith.index_cast %get3A_1217 : i32 to index
        %get3A_1219 = arith.index_cast %mul3A_1216 : i32 to index
        %get3A_1220 = tpu.vector_load %arg9[%get3A_1218, %get3A_1219] {strides = array<i32>} : memref<10x768xf32, #tpu.memory_space<vmem>>, vector<1x16xf32>,
        %get3A_1221 = vector.shape_cast %get3A_1220 : vector<1x16xf32> to vector<16xf32>
        %mul3A_1222 = arith.mulf %get3A_1205, %get3A_1221 : vector<16xf32>
        %add3A_1223 = arith.addf %add3A_1126, %mul3A_1222 : vector<16xf32>
        %mul3A_1224 = arith.constant 16 : i32
        %mul3A_1225 = arith.muli %scan3A_1200, %mul3A_1224 : i32
        %get3A_1226 = arith.constant 2 : i32
        %get3A_1227 = arith.index_cast %get3A_1226 : i32 to index
        %get3A_1228 = arith.index_cast %mul3A_1225 : i32 to index
        %get3A_1229 = tpu.vector_load %arg9[%get3A_1227, %get3A_1228] {strides = array<i32>} : memref<10x768xf32, #tpu.memory_space<vmem>>, vector<1x16xf32>,
        %get3A_1230 = vector.shape_cast %get3A_1229 : vector<1x16xf32> to vector<16xf32>
        %mul3A_1231 = arith.mulf %get3A_1205, %get3A_1230 : vector<16xf32>
        %add3A_1232 = arith.addf %add3A_1135, %mul3A_1231 : vector<16xf32>
        %mul3A_1233 = arith.constant 16 : i32
        %mul3A_1234 = arith.muli %scan3A_1200, %mul3A_1233 : i32
        %get3A_1235 = arith.constant 3 : i32
        %get3A_1236 = arith.index_cast %get3A_1235 : i32 to index
        %get3A_1237 = arith.index_cast %mul3A_1234 : i32 to index
        %get3A_1238 = tpu.vector_load %arg9[%get3A_1236, %get3A_1237] {strides = array<i32>} : memref<10x768xf32, #tpu.memory_space<vmem>>, vector<1x16xf32>,
        %get3A_1239 = vector.shape_cast %get3A_1238 : vector<1x16xf32> to vector<16xf32>
        %mul3A_1240 = arith.mulf %get3A_1205, %get3A_1239 : vector<16xf32>
        %add3A_1241 = arith.addf %add3A_1144, %mul3A_1240 : vector<16xf32>
        %mul3A_1242 = arith.constant 16 : i32
        %mul3A_1243 = arith.muli %scan3A_1200, %mul3A_1242 : i32
        %get3A_1244 = arith.constant 4 : i32
        %get3A_1245 = arith.index_cast %get3A_1244 : i32 to index
        %get3A_1246 = arith.index_cast %mul3A_1243 : i32 to index
        %get3A_1247 = tpu.vector_load %arg9[%get3A_1245, %get3A_1246] {strides = array<i32>} : memref<10x768xf32, #tpu.memory_space<vmem>>, vector<1x16xf32>,
        %get3A_1248 = vector.shape_cast %get3A_1247 : vector<1x16xf32> to vector<16xf32>
        %mul3A_1249 = arith.mulf %get3A_1205, %get3A_1248 : vector<16xf32>
        %add3A_1250 = arith.addf %add3A_1153, %mul3A_1249 : vector<16xf32>
        %mul3A_1251 = arith.constant 16 : i32
        %mul3A_1252 = arith.muli %scan3A_1200, %mul3A_1251 : i32
        %get3A_1253 = arith.constant 5 : i32
        %get3A_1254 = arith.index_cast %get3A_1253 : i32 to index
        %get3A_1255 = arith.index_cast %mul3A_1252 : i32 to index
        %get3A_1256 = tpu.vector_load %arg9[%get3A_1254, %get3A_1255] {strides = array<i32>} : memref<10x768xf32, #tpu.memory_space<vmem>>, vector<1x16xf32>,
        %get3A_1257 = vector.shape_cast %get3A_1256 : vector<1x16xf32> to vector<16xf32>
        %mul3A_1258 = arith.mulf %get3A_1205, %get3A_1257 : vector<16xf32>
        %add3A_1259 = arith.addf %add3A_1162, %mul3A_1258 : vector<16xf32>
        %mul3A_1260 = arith.constant 16 : i32
        %mul3A_1261 = arith.muli %scan3A_1200, %mul3A_1260 : i32
        %get3A_1262 = arith.constant 6 : i32
        %get3A_1263 = arith.index_cast %get3A_1262 : i32 to index
        %get3A_1264 = arith.index_cast %mul3A_1261 : i32 to index
        %get3A_1265 = tpu.vector_load %arg9[%get3A_1263, %get3A_1264] {strides = array<i32>} : memref<10x768xf32, #tpu.memory_space<vmem>>, vector<1x16xf32>,
        %get3A_1266 = vector.shape_cast %get3A_1265 : vector<1x16xf32> to vector<16xf32>
        %mul3A_1267 = arith.mulf %get3A_1205, %get3A_1266 : vector<16xf32>
        %add3A_1268 = arith.addf %add3A_1171, %mul3A_1267 : vector<16xf32>
        %mul3A_1269 = arith.constant 16 : i32
        %mul3A_1270 = arith.muli %scan3A_1200, %mul3A_1269 : i32
        %get3A_1271 = arith.constant 7 : i32
        %get3A_1272 = arith.index_cast %get3A_1271 : i32 to index
        %get3A_1273 = arith.index_cast %mul3A_1270 : i32 to index
        %get3A_1274 = tpu.vector_load %arg9[%get3A_1272, %get3A_1273] {strides = array<i32>} : memref<10x768xf32, #tpu.memory_space<vmem>>, vector<1x16xf32>,
        %get3A_1275 = vector.shape_cast %get3A_1274 : vector<1x16xf32> to vector<16xf32>
        %mul3A_1276 = arith.mulf %get3A_1205, %get3A_1275 : vector<16xf32>
        %add3A_1277 = arith.addf %add3A_1180, %mul3A_1276 : vector<16xf32>
        %mul3A_1278 = arith.constant 16 : i32
        %mul3A_1279 = arith.muli %scan3A_1200, %mul3A_1278 : i32
        %get3A_1280 = arith.constant 8 : i32
        %get3A_1281 = arith.index_cast %get3A_1280 : i32 to index
        %get3A_1282 = arith.index_cast %mul3A_1279 : i32 to index
        %get3A_1283 = tpu.vector_load %arg9[%get3A_1281, %get3A_1282] {strides = array<i32>} : memref<10x768xf32, #tpu.memory_space<vmem>>, vector<1x16xf32>,
        %get3A_1284 = vector.shape_cast %get3A_1283 : vector<1x16xf32> to vector<16xf32>
        %mul3A_1285 = arith.mulf %get3A_1205, %get3A_1284 : vector<16xf32>
        %add3A_1286 = arith.addf %add3A_1189, %mul3A_1285 : vector<16xf32>
        %mul3A_1287 = arith.constant 16 : i32
        %mul3A_1288 = arith.muli %scan3A_1200, %mul3A_1287 : i32
        %get3A_1289 = arith.constant 9 : i32
        %get3A_1290 = arith.index_cast %get3A_1289 : i32 to index
        %get3A_1291 = arith.index_cast %mul3A_1288 : i32 to index
        %get3A_1292 = tpu.vector_load %arg9[%get3A_1290, %get3A_1291] {strides = array<i32>} : memref<10x768xf32, #tpu.memory_space<vmem>>, vector<1x16xf32>,
        %get3A_1293 = vector.shape_cast %get3A_1292 : vector<1x16xf32> to vector<16xf32>
        %mul3A_1294 = arith.mulf %get3A_1205, %get3A_1293 : vector<16xf32>
        %add3A_1295 = arith.addf %add3A_1198, %mul3A_1294 : vector<16xf32>
        %scan3A_1296 = arith.constant 7 : i32
        %scan3A_1297 = arith.addi %scan3A_608, %scan3A_1296 : i32
        %mul3A_1298 = arith.constant 16 : i32
        %mul3A_1299 = arith.muli %scan3A_1297, %mul3A_1298 : i32
        %get3A_1300 = arith.index_cast %mul3A_1299 : i32 to index
        %get3A_1301 = tpu.vector_load %arg8[%get3A_1300] {strides = array<i32>} : memref<768xf32, #tpu.memory_space<vmem>>, vector<16xf32>,
        %get3A_1302 = vector.shape_cast %get3A_1301 : vector<16xf32> to vector<16xf32>
        %mul3A_1303 = arith.constant 16 : i32
        %mul3A_1304 = arith.muli %scan3A_1297, %mul3A_1303 : i32
        %get3A_1305 = arith.constant 0 : i32
        %get3A_1306 = arith.index_cast %get3A_1305 : i32 to index
        %get3A_1307 = arith.index_cast %mul3A_1304 : i32 to index
        %get3A_1308 = tpu.vector_load %arg9[%get3A_1306, %get3A_1307] {strides = array<i32>} : memref<10x768xf32, #tpu.memory_space<vmem>>, vector<1x16xf32>,
        %get3A_1309 = vector.shape_cast %get3A_1308 : vector<1x16xf32> to vector<16xf32>
        %mul3A_1310 = arith.mulf %get3A_1302, %get3A_1309 : vector<16xf32>
        %add3A_1311 = arith.addf %add3A_1214, %mul3A_1310 : vector<16xf32>
        %mul3A_1312 = arith.constant 16 : i32
        %mul3A_1313 = arith.muli %scan3A_1297, %mul3A_1312 : i32
        %get3A_1314 = arith.constant 1 : i32
        %get3A_1315 = arith.index_cast %get3A_1314 : i32 to index
        %get3A_1316 = arith.index_cast %mul3A_1313 : i32 to index
        %get3A_1317 = tpu.vector_load %arg9[%get3A_1315, %get3A_1316] {strides = array<i32>} : memref<10x768xf32, #tpu.memory_space<vmem>>, vector<1x16xf32>,
        %get3A_1318 = vector.shape_cast %get3A_1317 : vector<1x16xf32> to vector<16xf32>
        %mul3A_1319 = arith.mulf %get3A_1302, %get3A_1318 : vector<16xf32>
        %add3A_1320 = arith.addf %add3A_1223, %mul3A_1319 : vector<16xf32>
        %mul3A_1321 = arith.constant 16 : i32
        %mul3A_1322 = arith.muli %scan3A_1297, %mul3A_1321 : i32
        %get3A_1323 = arith.constant 2 : i32
        %get3A_1324 = arith.index_cast %get3A_1323 : i32 to index
        %get3A_1325 = arith.index_cast %mul3A_1322 : i32 to index
        %get3A_1326 = tpu.vector_load %arg9[%get3A_1324, %get3A_1325] {strides = array<i32>} : memref<10x768xf32, #tpu.memory_space<vmem>>, vector<1x16xf32>,
        %get3A_1327 = vector.shape_cast %get3A_1326 : vector<1x16xf32> to vector<16xf32>
        %mul3A_1328 = arith.mulf %get3A_1302, %get3A_1327 : vector<16xf32>
        %add3A_1329 = arith.addf %add3A_1232, %mul3A_1328 : vector<16xf32>
        %mul3A_1330 = arith.constant 16 : i32
        %mul3A_1331 = arith.muli %scan3A_1297, %mul3A_1330 : i32
        %get3A_1332 = arith.constant 3 : i32
        %get3A_1333 = arith.index_cast %get3A_1332 : i32 to index
        %get3A_1334 = arith.index_cast %mul3A_1331 : i32 to index
        %get3A_1335 = tpu.vector_load %arg9[%get3A_1333, %get3A_1334] {strides = array<i32>} : memref<10x768xf32, #tpu.memory_space<vmem>>, vector<1x16xf32>,
        %get3A_1336 = vector.shape_cast %get3A_1335 : vector<1x16xf32> to vector<16xf32>
        %mul3A_1337 = arith.mulf %get3A_1302, %get3A_1336 : vector<16xf32>
        %add3A_1338 = arith.addf %add3A_1241, %mul3A_1337 : vector<16xf32>
        %mul3A_1339 = arith.constant 16 : i32
        %mul3A_1340 = arith.muli %scan3A_1297, %mul3A_1339 : i32
        %get3A_1341 = arith.constant 4 : i32
        %get3A_1342 = arith.index_cast %get3A_1341 : i32 to index
        %get3A_1343 = arith.index_cast %mul3A_1340 : i32 to index
        %get3A_1344 = tpu.vector_load %arg9[%get3A_1342, %get3A_1343] {strides = array<i32>} : memref<10x768xf32, #tpu.memory_space<vmem>>, vector<1x16xf32>,
        %get3A_1345 = vector.shape_cast %get3A_1344 : vector<1x16xf32> to vector<16xf32>
        %mul3A_1346 = arith.mulf %get3A_1302, %get3A_1345 : vector<16xf32>
        %add3A_1347 = arith.addf %add3A_1250, %mul3A_1346 : vector<16xf32>
        %mul3A_1348 = arith.constant 16 : i32
        %mul3A_1349 = arith.muli %scan3A_1297, %mul3A_1348 : i32
        %get3A_1350 = arith.constant 5 : i32
        %get3A_1351 = arith.index_cast %get3A_1350 : i32 to index
        %get3A_1352 = arith.index_cast %mul3A_1349 : i32 to index
        %get3A_1353 = tpu.vector_load %arg9[%get3A_1351, %get3A_1352] {strides = array<i32>} : memref<10x768xf32, #tpu.memory_space<vmem>>, vector<1x16xf32>,
        %get3A_1354 = vector.shape_cast %get3A_1353 : vector<1x16xf32> to vector<16xf32>
        %mul3A_1355 = arith.mulf %get3A_1302, %get3A_1354 : vector<16xf32>
        %add3A_1356 = arith.addf %add3A_1259, %mul3A_1355 : vector<16xf32>
        %mul3A_1357 = arith.constant 16 : i32
        %mul3A_1358 = arith.muli %scan3A_1297, %mul3A_1357 : i32
        %get3A_1359 = arith.constant 6 : i32
        %get3A_1360 = arith.index_cast %get3A_1359 : i32 to index
        %get3A_1361 = arith.index_cast %mul3A_1358 : i32 to index
        %get3A_1362 = tpu.vector_load %arg9[%get3A_1360, %get3A_1361] {strides = array<i32>} : memref<10x768xf32, #tpu.memory_space<vmem>>, vector<1x16xf32>,
        %get3A_1363 = vector.shape_cast %get3A_1362 : vector<1x16xf32> to vector<16xf32>
        %mul3A_1364 = arith.mulf %get3A_1302, %get3A_1363 : vector<16xf32>
        %add3A_1365 = arith.addf %add3A_1268, %mul3A_1364 : vector<16xf32>
        %mul3A_1366 = arith.constant 16 : i32
        %mul3A_1367 = arith.muli %scan3A_1297, %mul3A_1366 : i32
        %get3A_1368 = arith.constant 7 : i32
        %get3A_1369 = arith.index_cast %get3A_1368 : i32 to index
        %get3A_1370 = arith.index_cast %mul3A_1367 : i32 to index
        %get3A_1371 = tpu.vector_load %arg9[%get3A_1369, %get3A_1370] {strides = array<i32>} : memref<10x768xf32, #tpu.memory_space<vmem>>, vector<1x16xf32>,
        %get3A_1372 = vector.shape_cast %get3A_1371 : vector<1x16xf32> to vector<16xf32>
        %mul3A_1373 = arith.mulf %get3A_1302, %get3A_1372 : vector<16xf32>
        %add3A_1374 = arith.addf %add3A_1277, %mul3A_1373 : vector<16xf32>
        %mul3A_1375 = arith.constant 16 : i32
        %mul3A_1376 = arith.muli %scan3A_1297, %mul3A_1375 : i32
        %get3A_1377 = arith.constant 8 : i32
        %get3A_1378 = arith.index_cast %get3A_1377 : i32 to index
        %get3A_1379 = arith.index_cast %mul3A_1376 : i32 to index
        %get3A_1380 = tpu.vector_load %arg9[%get3A_1378, %get3A_1379] {strides = array<i32>} : memref<10x768xf32, #tpu.memory_space<vmem>>, vector<1x16xf32>,
        %get3A_1381 = vector.shape_cast %get3A_1380 : vector<1x16xf32> to vector<16xf32>
        %mul3A_1382 = arith.mulf %get3A_1302, %get3A_1381 : vector<16xf32>
        %add3A_1383 = arith.addf %add3A_1286, %mul3A_1382 : vector<16xf32>
        %mul3A_1384 = arith.constant 16 : i32
        %mul3A_1385 = arith.muli %scan3A_1297, %mul3A_1384 : i32
        %get3A_1386 = arith.constant 9 : i32
        %get3A_1387 = arith.index_cast %get3A_1386 : i32 to index
        %get3A_1388 = arith.index_cast %mul3A_1385 : i32 to index
        %get3A_1389 = tpu.vector_load %arg9[%get3A_1387, %get3A_1388] {strides = array<i32>} : memref<10x768xf32, #tpu.memory_space<vmem>>, vector<1x16xf32>,
        %get3A_1390 = vector.shape_cast %get3A_1389 : vector<1x16xf32> to vector<16xf32>
        %mul3A_1391 = arith.mulf %get3A_1302, %get3A_1390 : vector<16xf32>
        %add3A_1392 = arith.addf %add3A_1295, %mul3A_1391 : vector<16xf32>
        scf.yield %add3A_1311, %add3A_1320, %add3A_1329, %add3A_1338, %add3A_1347, %add3A_1356, %add3A_1365, %add3A_1374, %add3A_1383, %add3A_1392 : vector<16xf32>, vector<16xf32>, vector<16xf32>, vector<16xf32>, vector<16xf32>, vector<16xf32>, vector<16xf32>, vector<16xf32>, vector<16xf32>, vector<16xf32>
      }
      %scan3A_150 = arith.constant 48 : i32
      %get3A_151 = arith.constant 0 : index
      %get3A_152 = tpu.vector_load %arg10[%get3A_151] {strides = array<i32>} : memref<16xf32, #tpu.memory_space<vmem>>, vector<16xf32>,
      %get3A_153 = vector.shape_cast %get3A_152 : vector<16xf32> to vector<16xf32>
      %add3A_154 = arith.constant 8 : i32
      %add3A_155 = vector.broadcast %add3A_154 : i32 to vector<16xi32>
      %add3A_156 = arith.addi %iota3A, %add3A_155 : vector<16xi32>
      %and3A_157 = arith.constant 15 : i32
      %and3A_158 = vector.broadcast %and3A_157 : i32 to vector<16xi32>
      %and3A_159 = arith.andi %add3A_156, %and3A_158 : vector<16xi32>
      %broadcast_in_dim3A_160 = vector.shape_cast %and3A_159 : vector<16xi32> to vector<16x1xi32>
      %gather3A_161 = vector.shape_cast %broadcast_in_dim3A_160 : vector<16x1xi32> to vector<16xi32>
      %gather3A_162 = tpu.dynamic_gather %scan3A_149#0[%gather3A_161] in [0] : vector<16xf32>, vector<16xi32> -> vector<16xf32>
      %add3A_163 = arith.addf %scan3A_149#0, %gather3A_162 : vector<16xf32>
      %add3A_164 = arith.constant 4 : i32
      %add3A_165 = vector.broadcast %add3A_164 : i32 to vector<16xi32>
      %add3A_166 = arith.addi %iota3A, %add3A_165 : vector<16xi32>
      %and3A_167 = arith.constant 15 : i32
      %and3A_168 = vector.broadcast %and3A_167 : i32 to vector<16xi32>
      %and3A_169 = arith.andi %add3A_166, %and3A_168 : vector<16xi32>
      %broadcast_in_dim3A_170 = vector.shape_cast %and3A_169 : vector<16xi32> to vector<16x1xi32>
      %gather3A_171 = vector.shape_cast %broadcast_in_dim3A_170 : vector<16x1xi32> to vector<16xi32>
      %gather3A_172 = tpu.dynamic_gather %add3A_163[%gather3A_171] in [0] : vector<16xf32>, vector<16xi32> -> vector<16xf32>
      %add3A_173 = arith.addf %add3A_163, %gather3A_172 : vector<16xf32>
      %add3A_174 = arith.constant 2 : i32
      %add3A_175 = vector.broadcast %add3A_174 : i32 to vector<16xi32>
      %add3A_176 = arith.addi %iota3A, %add3A_175 : vector<16xi32>
      %and3A_177 = arith.constant 15 : i32
      %and3A_178 = vector.broadcast %and3A_177 : i32 to vector<16xi32>
      %and3A_179 = arith.andi %add3A_176, %and3A_178 : vector<16xi32>
      %broadcast_in_dim3A_180 = vector.shape_cast %and3A_179 : vector<16xi32> to vector<16x1xi32>
      %gather3A_181 = vector.shape_cast %broadcast_in_dim3A_180 : vector<16x1xi32> to vector<16xi32>
      %gather3A_182 = tpu.dynamic_gather %add3A_173[%gather3A_181] in [0] : vector<16xf32>, vector<16xi32> -> vector<16xf32>
      %add3A_183 = arith.addf %add3A_173, %gather3A_182 : vector<16xf32>
      %add3A_184 = arith.constant 1 : i32
      %add3A_185 = vector.broadcast %add3A_184 : i32 to vector<16xi32>
      %add3A_186 = arith.addi %iota3A, %add3A_185 : vector<16xi32>
      %and3A_187 = arith.constant 15 : i32
      %and3A_188 = vector.broadcast %and3A_187 : i32 to vector<16xi32>
      %and3A_189 = arith.andi %add3A_186, %and3A_188 : vector<16xi32>
      %broadcast_in_dim3A_190 = vector.shape_cast %and3A_189 : vector<16xi32> to vector<16x1xi32>
      %gather3A_191 = vector.shape_cast %broadcast_in_dim3A_190 : vector<16x1xi32> to vector<16xi32>
      %gather3A_192 = tpu.dynamic_gather %add3A_183[%gather3A_191] in [0] : vector<16xf32>, vector<16xi32> -> vector<16xf32>
      %add3A_193 = arith.addf %add3A_183, %gather3A_192 : vector<16xf32>
      %eq3A_194 = arith.constant 0 : i32
      %eq3A_195 = vector.broadcast %eq3A_194 : i32 to vector<16xi32>
      %eq3A_196 = arith.cmpi eq, %iota3A, %eq3A_195 : vector<16xi32>
      %add3A_197 = arith.addf %get3A_153, %add3A_193 : vector<16xf32>
      %select_n3A_198 = arith.select %eq3A_196, %add3A_197, %get3A_153 : vector<16xi1>, vector<16xf32>
      %add3A_199 = arith.constant 8 : i32
      %add3A_200 = vector.broadcast %add3A_199 : i32 to vector<16xi32>
      %add3A_201 = arith.addi %iota3A, %add3A_200 : vector<16xi32>
      %and3A_202 = arith.constant 15 : i32
      %and3A_203 = vector.broadcast %and3A_202 : i32 to vector<16xi32>
      %and3A_204 = arith.andi %add3A_201, %and3A_203 : vector<16xi32>
      %broadcast_in_dim3A_205 = vector.shape_cast %and3A_204 : vector<16xi32> to vector<16x1xi32>
      %gather3A_206 = vector.shape_cast %broadcast_in_dim3A_205 : vector<16x1xi32> to vector<16xi32>
      %gather3A_207 = tpu.dynamic_gather %scan3A_149#1[%gather3A_206] in [0] : vector<16xf32>, vector<16xi32> -> vector<16xf32>
      %add3A_208 = arith.addf %scan3A_149#1, %gather3A_207 : vector<16xf32>
      %add3A_209 = arith.constant 4 : i32
      %add3A_210 = vector.broadcast %add3A_209 : i32 to vector<16xi32>
      %add3A_211 = arith.addi %iota3A, %add3A_210 : vector<16xi32>
      %and3A_212 = arith.constant 15 : i32
      %and3A_213 = vector.broadcast %and3A_212 : i32 to vector<16xi32>
      %and3A_214 = arith.andi %add3A_211, %and3A_213 : vector<16xi32>
      %broadcast_in_dim3A_215 = vector.shape_cast %and3A_214 : vector<16xi32> to vector<16x1xi32>
      %gather3A_216 = vector.shape_cast %broadcast_in_dim3A_215 : vector<16x1xi32> to vector<16xi32>
      %gather3A_217 = tpu.dynamic_gather %add3A_208[%gather3A_216] in [0] : vector<16xf32>, vector<16xi32> -> vector<16xf32>
      %add3A_218 = arith.addf %add3A_208, %gather3A_217 : vector<16xf32>
      %add3A_219 = arith.constant 2 : i32
      %add3A_220 = vector.broadcast %add3A_219 : i32 to vector<16xi32>
      %add3A_221 = arith.addi %iota3A, %add3A_220 : vector<16xi32>
      %and3A_222 = arith.constant 15 : i32
      %and3A_223 = vector.broadcast %and3A_222 : i32 to vector<16xi32>
      %and3A_224 = arith.andi %add3A_221, %and3A_223 : vector<16xi32>
      %broadcast_in_dim3A_225 = vector.shape_cast %and3A_224 : vector<16xi32> to vector<16x1xi32>
      %gather3A_226 = vector.shape_cast %broadcast_in_dim3A_225 : vector<16x1xi32> to vector<16xi32>
      %gather3A_227 = tpu.dynamic_gather %add3A_218[%gather3A_226] in [0] : vector<16xf32>, vector<16xi32> -> vector<16xf32>
      %add3A_228 = arith.addf %add3A_218, %gather3A_227 : vector<16xf32>
      %add3A_229 = arith.constant 1 : i32
      %add3A_230 = vector.broadcast %add3A_229 : i32 to vector<16xi32>
      %add3A_231 = arith.addi %iota3A, %add3A_230 : vector<16xi32>
      %and3A_232 = arith.constant 15 : i32
      %and3A_233 = vector.broadcast %and3A_232 : i32 to vector<16xi32>
      %and3A_234 = arith.andi %add3A_231, %and3A_233 : vector<16xi32>
      %broadcast_in_dim3A_235 = vector.shape_cast %and3A_234 : vector<16xi32> to vector<16x1xi32>
      %gather3A_236 = vector.shape_cast %broadcast_in_dim3A_235 : vector<16x1xi32> to vector<16xi32>
      %gather3A_237 = tpu.dynamic_gather %add3A_228[%gather3A_236] in [0] : vector<16xf32>, vector<16xi32> -> vector<16xf32>
      %add3A_238 = arith.addf %add3A_228, %gather3A_237 : vector<16xf32>
      %eq3A_239 = arith.constant 1 : i32
      %eq3A_240 = vector.broadcast %eq3A_239 : i32 to vector<16xi32>
      %eq3A_241 = arith.cmpi eq, %iota3A, %eq3A_240 : vector<16xi32>
      %add3A_242 = arith.addf %select_n3A_198, %add3A_238 : vector<16xf32>
      %select_n3A_243 = arith.select %eq3A_241, %add3A_242, %select_n3A_198 : vector<16xi1>, vector<16xf32>
      %add3A_244 = arith.constant 8 : i32
      %add3A_245 = vector.broadcast %add3A_244 : i32 to vector<16xi32>
      %add3A_246 = arith.addi %iota3A, %add3A_245 : vector<16xi32>
      %and3A_247 = arith.constant 15 : i32
      %and3A_248 = vector.broadcast %and3A_247 : i32 to vector<16xi32>
      %and3A_249 = arith.andi %add3A_246, %and3A_248 : vector<16xi32>
      %broadcast_in_dim3A_250 = vector.shape_cast %and3A_249 : vector<16xi32> to vector<16x1xi32>
      %gather3A_251 = vector.shape_cast %broadcast_in_dim3A_250 : vector<16x1xi32> to vector<16xi32>
      %gather3A_252 = tpu.dynamic_gather %scan3A_149#2[%gather3A_251] in [0] : vector<16xf32>, vector<16xi32> -> vector<16xf32>
      %add3A_253 = arith.addf %scan3A_149#2, %gather3A_252 : vector<16xf32>
      %add3A_254 = arith.constant 4 : i32
      %add3A_255 = vector.broadcast %add3A_254 : i32 to vector<16xi32>
      %add3A_256 = arith.addi %iota3A, %add3A_255 : vector<16xi32>
      %and3A_257 = arith.constant 15 : i32
      %and3A_258 = vector.broadcast %and3A_257 : i32 to vector<16xi32>
      %and3A_259 = arith.andi %add3A_256, %and3A_258 : vector<16xi32>
      %broadcast_in_dim3A_260 = vector.shape_cast %and3A_259 : vector<16xi32> to vector<16x1xi32>
      %gather3A_261 = vector.shape_cast %broadcast_in_dim3A_260 : vector<16x1xi32> to vector<16xi32>
      %gather3A_262 = tpu.dynamic_gather %add3A_253[%gather3A_261] in [0] : vector<16xf32>, vector<16xi32> -> vector<16xf32>
      %add3A_263 = arith.addf %add3A_253, %gather3A_262 : vector<16xf32>
      %add3A_264 = arith.constant 2 : i32
      %add3A_265 = vector.broadcast %add3A_264 : i32 to vector<16xi32>
      %add3A_266 = arith.addi %iota3A, %add3A_265 : vector<16xi32>
      %and3A_267 = arith.constant 15 : i32
      %and3A_268 = vector.broadcast %and3A_267 : i32 to vector<16xi32>
      %and3A_269 = arith.andi %add3A_266, %and3A_268 : vector<16xi32>
      %broadcast_in_dim3A_270 = vector.shape_cast %and3A_269 : vector<16xi32> to vector<16x1xi32>
      %gather3A_271 = vector.shape_cast %broadcast_in_dim3A_270 : vector<16x1xi32> to vector<16xi32>
      %gather3A_272 = tpu.dynamic_gather %add3A_263[%gather3A_271] in [0] : vector<16xf32>, vector<16xi32> -> vector<16xf32>
      %add3A_273 = arith.addf %add3A_263, %gather3A_272 : vector<16xf32>
      %add3A_274 = arith.constant 1 : i32
      %add3A_275 = vector.broadcast %add3A_274 : i32 to vector<16xi32>
      %add3A_276 = arith.addi %iota3A, %add3A_275 : vector<16xi32>
      %and3A_277 = arith.constant 15 : i32
      %and3A_278 = vector.broadcast %and3A_277 : i32 to vector<16xi32>
      %and3A_279 = arith.andi %add3A_276, %and3A_278 : vector<16xi32>
      %broadcast_in_dim3A_280 = vector.shape_cast %and3A_279 : vector<16xi32> to vector<16x1xi32>
      %gather3A_281 = vector.shape_cast %broadcast_in_dim3A_280 : vector<16x1xi32> to vector<16xi32>
      %gather3A_282 = tpu.dynamic_gather %add3A_273[%gather3A_281] in [0] : vector<16xf32>, vector<16xi32> -> vector<16xf32>
      %add3A_283 = arith.addf %add3A_273, %gather3A_282 : vector<16xf32>
      %eq3A_284 = arith.constant 2 : i32
      %eq3A_285 = vector.broadcast %eq3A_284 : i32 to vector<16xi32>
      %eq3A_286 = arith.cmpi eq, %iota3A, %eq3A_285 : vector<16xi32>
      %add3A_287 = arith.addf %select_n3A_243, %add3A_283 : vector<16xf32>
      %select_n3A_288 = arith.select %eq3A_286, %add3A_287, %select_n3A_243 : vector<16xi1>, vector<16xf32>
      %add3A_289 = arith.constant 8 : i32
      %add3A_290 = vector.broadcast %add3A_289 : i32 to vector<16xi32>
      %add3A_291 = arith.addi %iota3A, %add3A_290 : vector<16xi32>
      %and3A_292 = arith.constant 15 : i32
      %and3A_293 = vector.broadcast %and3A_292 : i32 to vector<16xi32>
      %and3A_294 = arith.andi %add3A_291, %and3A_293 : vector<16xi32>
      %broadcast_in_dim3A_295 = vector.shape_cast %and3A_294 : vector<16xi32> to vector<16x1xi32>
      %gather3A_296 = vector.shape_cast %broadcast_in_dim3A_295 : vector<16x1xi32> to vector<16xi32>
      %gather3A_297 = tpu.dynamic_gather %scan3A_149#3[%gather3A_296] in [0] : vector<16xf32>, vector<16xi32> -> vector<16xf32>
      %add3A_298 = arith.addf %scan3A_149#3, %gather3A_297 : vector<16xf32>
      %add3A_299 = arith.constant 4 : i32
      %add3A_300 = vector.broadcast %add3A_299 : i32 to vector<16xi32>
      %add3A_301 = arith.addi %iota3A, %add3A_300 : vector<16xi32>
      %and3A_302 = arith.constant 15 : i32
      %and3A_303 = vector.broadcast %and3A_302 : i32 to vector<16xi32>
      %and3A_304 = arith.andi %add3A_301, %and3A_303 : vector<16xi32>
      %broadcast_in_dim3A_305 = vector.shape_cast %and3A_304 : vector<16xi32> to vector<16x1xi32>
      %gather3A_306 = vector.shape_cast %broadcast_in_dim3A_305 : vector<16x1xi32> to vector<16xi32>
      %gather3A_307 = tpu.dynamic_gather %add3A_298[%gather3A_306] in [0] : vector<16xf32>, vector<16xi32> -> vector<16xf32>
      %add3A_308 = arith.addf %add3A_298, %gather3A_307 : vector<16xf32>
      %add3A_309 = arith.constant 2 : i32
      %add3A_310 = vector.broadcast %add3A_309 : i32 to vector<16xi32>
      %add3A_311 = arith.addi %iota3A, %add3A_310 : vector<16xi32>
      %and3A_312 = arith.constant 15 : i32
      %and3A_313 = vector.broadcast %and3A_312 : i32 to vector<16xi32>
      %and3A_314 = arith.andi %add3A_311, %and3A_313 : vector<16xi32>
      %broadcast_in_dim3A_315 = vector.shape_cast %and3A_314 : vector<16xi32> to vector<16x1xi32>
      %gather3A_316 = vector.shape_cast %broadcast_in_dim3A_315 : vector<16x1xi32> to vector<16xi32>
      %gather3A_317 = tpu.dynamic_gather %add3A_308[%gather3A_316] in [0] : vector<16xf32>, vector<16xi32> -> vector<16xf32>
      %add3A_318 = arith.addf %add3A_308, %gather3A_317 : vector<16xf32>
      %add3A_319 = arith.constant 1 : i32
      %add3A_320 = vector.broadcast %add3A_319 : i32 to vector<16xi32>
      %add3A_321 = arith.addi %iota3A, %add3A_320 : vector<16xi32>
      %and3A_322 = arith.constant 15 : i32
      %and3A_323 = vector.broadcast %and3A_322 : i32 to vector<16xi32>
      %and3A_324 = arith.andi %add3A_321, %and3A_323 : vector<16xi32>
      %broadcast_in_dim3A_325 = vector.shape_cast %and3A_324 : vector<16xi32> to vector<16x1xi32>
      %gather3A_326 = vector.shape_cast %broadcast_in_dim3A_325 : vector<16x1xi32> to vector<16xi32>
      %gather3A_327 = tpu.dynamic_gather %add3A_318[%gather3A_326] in [0] : vector<16xf32>, vector<16xi32> -> vector<16xf32>
      %add3A_328 = arith.addf %add3A_318, %gather3A_327 : vector<16xf32>
      %eq3A_329 = arith.constant 3 : i32
      %eq3A_330 = vector.broadcast %eq3A_329 : i32 to vector<16xi32>
      %eq3A_331 = arith.cmpi eq, %iota3A, %eq3A_330 : vector<16xi32>
      %add3A_332 = arith.addf %select_n3A_288, %add3A_328 : vector<16xf32>
      %select_n3A_333 = arith.select %eq3A_331, %add3A_332, %select_n3A_288 : vector<16xi1>, vector<16xf32>
      %add3A_334 = arith.constant 8 : i32
      %add3A_335 = vector.broadcast %add3A_334 : i32 to vector<16xi32>
      %add3A_336 = arith.addi %iota3A, %add3A_335 : vector<16xi32>
      %and3A_337 = arith.constant 15 : i32
      %and3A_338 = vector.broadcast %and3A_337 : i32 to vector<16xi32>
      %and3A_339 = arith.andi %add3A_336, %and3A_338 : vector<16xi32>
      %broadcast_in_dim3A_340 = vector.shape_cast %and3A_339 : vector<16xi32> to vector<16x1xi32>
      %gather3A_341 = vector.shape_cast %broadcast_in_dim3A_340 : vector<16x1xi32> to vector<16xi32>
      %gather3A_342 = tpu.dynamic_gather %scan3A_149#4[%gather3A_341] in [0] : vector<16xf32>, vector<16xi32> -> vector<16xf32>
      %add3A_343 = arith.addf %scan3A_149#4, %gather3A_342 : vector<16xf32>
      %add3A_344 = arith.constant 4 : i32
      %add3A_345 = vector.broadcast %add3A_344 : i32 to vector<16xi32>
      %add3A_346 = arith.addi %iota3A, %add3A_345 : vector<16xi32>
      %and3A_347 = arith.constant 15 : i32
      %and3A_348 = vector.broadcast %and3A_347 : i32 to vector<16xi32>
      %and3A_349 = arith.andi %add3A_346, %and3A_348 : vector<16xi32>
      %broadcast_in_dim3A_350 = vector.shape_cast %and3A_349 : vector<16xi32> to vector<16x1xi32>
      %gather3A_351 = vector.shape_cast %broadcast_in_dim3A_350 : vector<16x1xi32> to vector<16xi32>
      %gather3A_352 = tpu.dynamic_gather %add3A_343[%gather3A_351] in [0] : vector<16xf32>, vector<16xi32> -> vector<16xf32>
      %add3A_353 = arith.addf %add3A_343, %gather3A_352 : vector<16xf32>
      %add3A_354 = arith.constant 2 : i32
      %add3A_355 = vector.broadcast %add3A_354 : i32 to vector<16xi32>
      %add3A_356 = arith.addi %iota3A, %add3A_355 : vector<16xi32>
      %and3A_357 = arith.constant 15 : i32
      %and3A_358 = vector.broadcast %and3A_357 : i32 to vector<16xi32>
      %and3A_359 = arith.andi %add3A_356, %and3A_358 : vector<16xi32>
      %broadcast_in_dim3A_360 = vector.shape_cast %and3A_359 : vector<16xi32> to vector<16x1xi32>
      %gather3A_361 = vector.shape_cast %broadcast_in_dim3A_360 : vector<16x1xi32> to vector<16xi32>
      %gather3A_362 = tpu.dynamic_gather %add3A_353[%gather3A_361] in [0] : vector<16xf32>, vector<16xi32> -> vector<16xf32>
      %add3A_363 = arith.addf %add3A_353, %gather3A_362 : vector<16xf32>
      %add3A_364 = arith.constant 1 : i32
      %add3A_365 = vector.broadcast %add3A_364 : i32 to vector<16xi32>
      %add3A_366 = arith.addi %iota3A, %add3A_365 : vector<16xi32>
      %and3A_367 = arith.constant 15 : i32
      %and3A_368 = vector.broadcast %and3A_367 : i32 to vector<16xi32>
      %and3A_369 = arith.andi %add3A_366, %and3A_368 : vector<16xi32>
      %broadcast_in_dim3A_370 = vector.shape_cast %and3A_369 : vector<16xi32> to vector<16x1xi32>
      %gather3A_371 = vector.shape_cast %broadcast_in_dim3A_370 : vector<16x1xi32> to vector<16xi32>
      %gather3A_372 = tpu.dynamic_gather %add3A_363[%gather3A_371] in [0] : vector<16xf32>, vector<16xi32> -> vector<16xf32>
      %add3A_373 = arith.addf %add3A_363, %gather3A_372 : vector<16xf32>
      %eq3A_374 = arith.constant 4 : i32
      %eq3A_375 = vector.broadcast %eq3A_374 : i32 to vector<16xi32>
      %eq3A_376 = arith.cmpi eq, %iota3A, %eq3A_375 : vector<16xi32>
      %add3A_377 = arith.addf %select_n3A_333, %add3A_373 : vector<16xf32>
      %select_n3A_378 = arith.select %eq3A_376, %add3A_377, %select_n3A_333 : vector<16xi1>, vector<16xf32>
      %add3A_379 = arith.constant 8 : i32
      %add3A_380 = vector.broadcast %add3A_379 : i32 to vector<16xi32>
      %add3A_381 = arith.addi %iota3A, %add3A_380 : vector<16xi32>
      %and3A_382 = arith.constant 15 : i32
      %and3A_383 = vector.broadcast %and3A_382 : i32 to vector<16xi32>
      %and3A_384 = arith.andi %add3A_381, %and3A_383 : vector<16xi32>
      %broadcast_in_dim3A_385 = vector.shape_cast %and3A_384 : vector<16xi32> to vector<16x1xi32>
      %gather3A_386 = vector.shape_cast %broadcast_in_dim3A_385 : vector<16x1xi32> to vector<16xi32>
      %gather3A_387 = tpu.dynamic_gather %scan3A_149#5[%gather3A_386] in [0] : vector<16xf32>, vector<16xi32> -> vector<16xf32>
      %add3A_388 = arith.addf %scan3A_149#5, %gather3A_387 : vector<16xf32>
      %add3A_389 = arith.constant 4 : i32
      %add3A_390 = vector.broadcast %add3A_389 : i32 to vector<16xi32>
      %add3A_391 = arith.addi %iota3A, %add3A_390 : vector<16xi32>
      %and3A_392 = arith.constant 15 : i32
      %and3A_393 = vector.broadcast %and3A_392 : i32 to vector<16xi32>
      %and3A_394 = arith.andi %add3A_391, %and3A_393 : vector<16xi32>
      %broadcast_in_dim3A_395 = vector.shape_cast %and3A_394 : vector<16xi32> to vector<16x1xi32>
      %gather3A_396 = vector.shape_cast %broadcast_in_dim3A_395 : vector<16x1xi32> to vector<16xi32>
      %gather3A_397 = tpu.dynamic_gather %add3A_388[%gather3A_396] in [0] : vector<16xf32>, vector<16xi32> -> vector<16xf32>
      %add3A_398 = arith.addf %add3A_388, %gather3A_397 : vector<16xf32>
      %add3A_399 = arith.constant 2 : i32
      %add3A_400 = vector.broadcast %add3A_399 : i32 to vector<16xi32>
      %add3A_401 = arith.addi %iota3A, %add3A_400 : vector<16xi32>
      %and3A_402 = arith.constant 15 : i32
      %and3A_403 = vector.broadcast %and3A_402 : i32 to vector<16xi32>
      %and3A_404 = arith.andi %add3A_401, %and3A_403 : vector<16xi32>
      %broadcast_in_dim3A_405 = vector.shape_cast %and3A_404 : vector<16xi32> to vector<16x1xi32>
      %gather3A_406 = vector.shape_cast %broadcast_in_dim3A_405 : vector<16x1xi32> to vector<16xi32>
      %gather3A_407 = tpu.dynamic_gather %add3A_398[%gather3A_406] in [0] : vector<16xf32>, vector<16xi32> -> vector<16xf32>
      %add3A_408 = arith.addf %add3A_398, %gather3A_407 : vector<16xf32>
      %add3A_409 = arith.constant 1 : i32
      %add3A_410 = vector.broadcast %add3A_409 : i32 to vector<16xi32>
      %add3A_411 = arith.addi %iota3A, %add3A_410 : vector<16xi32>
      %and3A_412 = arith.constant 15 : i32
      %and3A_413 = vector.broadcast %and3A_412 : i32 to vector<16xi32>
      %and3A_414 = arith.andi %add3A_411, %and3A_413 : vector<16xi32>
      %broadcast_in_dim3A_415 = vector.shape_cast %and3A_414 : vector<16xi32> to vector<16x1xi32>
      %gather3A_416 = vector.shape_cast %broadcast_in_dim3A_415 : vector<16x1xi32> to vector<16xi32>
      %gather3A_417 = tpu.dynamic_gather %add3A_408[%gather3A_416] in [0] : vector<16xf32>, vector<16xi32> -> vector<16xf32>
      %add3A_418 = arith.addf %add3A_408, %gather3A_417 : vector<16xf32>
      %eq3A_419 = arith.constant 5 : i32
      %eq3A_420 = vector.broadcast %eq3A_419 : i32 to vector<16xi32>
      %eq3A_421 = arith.cmpi eq, %iota3A, %eq3A_420 : vector<16xi32>
      %add3A_422 = arith.addf %select_n3A_378, %add3A_418 : vector<16xf32>
      %select_n3A_423 = arith.select %eq3A_421, %add3A_422, %select_n3A_378 : vector<16xi1>, vector<16xf32>
      %add3A_424 = arith.constant 8 : i32
      %add3A_425 = vector.broadcast %add3A_424 : i32 to vector<16xi32>
      %add3A_426 = arith.addi %iota3A, %add3A_425 : vector<16xi32>
      %and3A_427 = arith.constant 15 : i32
      %and3A_428 = vector.broadcast %and3A_427 : i32 to vector<16xi32>
      %and3A_429 = arith.andi %add3A_426, %and3A_428 : vector<16xi32>
      %broadcast_in_dim3A_430 = vector.shape_cast %and3A_429 : vector<16xi32> to vector<16x1xi32>
      %gather3A_431 = vector.shape_cast %broadcast_in_dim3A_430 : vector<16x1xi32> to vector<16xi32>
      %gather3A_432 = tpu.dynamic_gather %scan3A_149#6[%gather3A_431] in [0] : vector<16xf32>, vector<16xi32> -> vector<16xf32>
      %add3A_433 = arith.addf %scan3A_149#6, %gather3A_432 : vector<16xf32>
      %add3A_434 = arith.constant 4 : i32
      %add3A_435 = vector.broadcast %add3A_434 : i32 to vector<16xi32>
      %add3A_436 = arith.addi %iota3A, %add3A_435 : vector<16xi32>
      %and3A_437 = arith.constant 15 : i32
      %and3A_438 = vector.broadcast %and3A_437 : i32 to vector<16xi32>
      %and3A_439 = arith.andi %add3A_436, %and3A_438 : vector<16xi32>
      %broadcast_in_dim3A_440 = vector.shape_cast %and3A_439 : vector<16xi32> to vector<16x1xi32>
      %gather3A_441 = vector.shape_cast %broadcast_in_dim3A_440 : vector<16x1xi32> to vector<16xi32>
      %gather3A_442 = tpu.dynamic_gather %add3A_433[%gather3A_441] in [0] : vector<16xf32>, vector<16xi32> -> vector<16xf32>
      %add3A_443 = arith.addf %add3A_433, %gather3A_442 : vector<16xf32>
      %add3A_444 = arith.constant 2 : i32
      %add3A_445 = vector.broadcast %add3A_444 : i32 to vector<16xi32>
      %add3A_446 = arith.addi %iota3A, %add3A_445 : vector<16xi32>
      %and3A_447 = arith.constant 15 : i32
      %and3A_448 = vector.broadcast %and3A_447 : i32 to vector<16xi32>
      %and3A_449 = arith.andi %add3A_446, %and3A_448 : vector<16xi32>
      %broadcast_in_dim3A_450 = vector.shape_cast %and3A_449 : vector<16xi32> to vector<16x1xi32>
      %gather3A_451 = vector.shape_cast %broadcast_in_dim3A_450 : vector<16x1xi32> to vector<16xi32>
      %gather3A_452 = tpu.dynamic_gather %add3A_443[%gather3A_451] in [0] : vector<16xf32>, vector<16xi32> -> vector<16xf32>
      %add3A_453 = arith.addf %add3A_443, %gather3A_452 : vector<16xf32>
      %add3A_454 = arith.constant 1 : i32
      %add3A_455 = vector.broadcast %add3A_454 : i32 to vector<16xi32>
      %add3A_456 = arith.addi %iota3A, %add3A_455 : vector<16xi32>
      %and3A_457 = arith.constant 15 : i32
      %and3A_458 = vector.broadcast %and3A_457 : i32 to vector<16xi32>
      %and3A_459 = arith.andi %add3A_456, %and3A_458 : vector<16xi32>
      %broadcast_in_dim3A_460 = vector.shape_cast %and3A_459 : vector<16xi32> to vector<16x1xi32>
      %gather3A_461 = vector.shape_cast %broadcast_in_dim3A_460 : vector<16x1xi32> to vector<16xi32>
      %gather3A_462 = tpu.dynamic_gather %add3A_453[%gather3A_461] in [0] : vector<16xf32>, vector<16xi32> -> vector<16xf32>
      %add3A_463 = arith.addf %add3A_453, %gather3A_462 : vector<16xf32>
      %eq3A_464 = arith.constant 6 : i32
      %eq3A_465 = vector.broadcast %eq3A_464 : i32 to vector<16xi32>
      %eq3A_466 = arith.cmpi eq, %iota3A, %eq3A_465 : vector<16xi32>
      %add3A_467 = arith.addf %select_n3A_423, %add3A_463 : vector<16xf32>
      %select_n3A_468 = arith.select %eq3A_466, %add3A_467, %select_n3A_423 : vector<16xi1>, vector<16xf32>
      %add3A_469 = arith.constant 8 : i32
      %add3A_470 = vector.broadcast %add3A_469 : i32 to vector<16xi32>
      %add3A_471 = arith.addi %iota3A, %add3A_470 : vector<16xi32>
      %and3A_472 = arith.constant 15 : i32
      %and3A_473 = vector.broadcast %and3A_472 : i32 to vector<16xi32>
      %and3A_474 = arith.andi %add3A_471, %and3A_473 : vector<16xi32>
      %broadcast_in_dim3A_475 = vector.shape_cast %and3A_474 : vector<16xi32> to vector<16x1xi32>
      %gather3A_476 = vector.shape_cast %broadcast_in_dim3A_475 : vector<16x1xi32> to vector<16xi32>
      %gather3A_477 = tpu.dynamic_gather %scan3A_149#7[%gather3A_476] in [0] : vector<16xf32>, vector<16xi32> -> vector<16xf32>
      %add3A_478 = arith.addf %scan3A_149#7, %gather3A_477 : vector<16xf32>
      %add3A_479 = arith.constant 4 : i32
      %add3A_480 = vector.broadcast %add3A_479 : i32 to vector<16xi32>
      %add3A_481 = arith.addi %iota3A, %add3A_480 : vector<16xi32>
      %and3A_482 = arith.constant 15 : i32
      %and3A_483 = vector.broadcast %and3A_482 : i32 to vector<16xi32>
      %and3A_484 = arith.andi %add3A_481, %and3A_483 : vector<16xi32>
      %broadcast_in_dim3A_485 = vector.shape_cast %and3A_484 : vector<16xi32> to vector<16x1xi32>
      %gather3A_486 = vector.shape_cast %broadcast_in_dim3A_485 : vector<16x1xi32> to vector<16xi32>
      %gather3A_487 = tpu.dynamic_gather %add3A_478[%gather3A_486] in [0] : vector<16xf32>, vector<16xi32> -> vector<16xf32>
      %add3A_488 = arith.addf %add3A_478, %gather3A_487 : vector<16xf32>
      %add3A_489 = arith.constant 2 : i32
      %add3A_490 = vector.broadcast %add3A_489 : i32 to vector<16xi32>
      %add3A_491 = arith.addi %iota3A, %add3A_490 : vector<16xi32>
      %and3A_492 = arith.constant 15 : i32
      %and3A_493 = vector.broadcast %and3A_492 : i32 to vector<16xi32>
      %and3A_494 = arith.andi %add3A_491, %and3A_493 : vector<16xi32>
      %broadcast_in_dim3A_495 = vector.shape_cast %and3A_494 : vector<16xi32> to vector<16x1xi32>
      %gather3A_496 = vector.shape_cast %broadcast_in_dim3A_495 : vector<16x1xi32> to vector<16xi32>
      %gather3A_497 = tpu.dynamic_gather %add3A_488[%gather3A_496] in [0] : vector<16xf32>, vector<16xi32> -> vector<16xf32>
      %add3A_498 = arith.addf %add3A_488, %gather3A_497 : vector<16xf32>
      %add3A_499 = arith.constant 1 : i32
      %add3A_500 = vector.broadcast %add3A_499 : i32 to vector<16xi32>
      %add3A_501 = arith.addi %iota3A, %add3A_500 : vector<16xi32>
      %and3A_502 = arith.constant 15 : i32
      %and3A_503 = vector.broadcast %and3A_502 : i32 to vector<16xi32>
      %and3A_504 = arith.andi %add3A_501, %and3A_503 : vector<16xi32>
      %broadcast_in_dim3A_505 = vector.shape_cast %and3A_504 : vector<16xi32> to vector<16x1xi32>
      %gather3A_506 = vector.shape_cast %broadcast_in_dim3A_505 : vector<16x1xi32> to vector<16xi32>
      %gather3A_507 = tpu.dynamic_gather %add3A_498[%gather3A_506] in [0] : vector<16xf32>, vector<16xi32> -> vector<16xf32>
      %add3A_508 = arith.addf %add3A_498, %gather3A_507 : vector<16xf32>
      %eq3A_509 = arith.constant 7 : i32
      %eq3A_510 = vector.broadcast %eq3A_509 : i32 to vector<16xi32>
      %eq3A_511 = arith.cmpi eq, %iota3A, %eq3A_510 : vector<16xi32>
      %add3A_512 = arith.addf %select_n3A_468, %add3A_508 : vector<16xf32>
      %select_n3A_513 = arith.select %eq3A_511, %add3A_512, %select_n3A_468 : vector<16xi1>, vector<16xf32>
      %add3A_514 = arith.constant 8 : i32
      %add3A_515 = vector.broadcast %add3A_514 : i32 to vector<16xi32>
      %add3A_516 = arith.addi %iota3A, %add3A_515 : vector<16xi32>
      %and3A_517 = arith.constant 15 : i32
      %and3A_518 = vector.broadcast %and3A_517 : i32 to vector<16xi32>
      %and3A_519 = arith.andi %add3A_516, %and3A_518 : vector<16xi32>
      %broadcast_in_dim3A_520 = vector.shape_cast %and3A_519 : vector<16xi32> to vector<16x1xi32>
      %gather3A_521 = vector.shape_cast %broadcast_in_dim3A_520 : vector<16x1xi32> to vector<16xi32>
      %gather3A_522 = tpu.dynamic_gather %scan3A_149#8[%gather3A_521] in [0] : vector<16xf32>, vector<16xi32> -> vector<16xf32>
      %add3A_523 = arith.addf %scan3A_149#8, %gather3A_522 : vector<16xf32>
      %add3A_524 = arith.constant 4 : i32
      %add3A_525 = vector.broadcast %add3A_524 : i32 to vector<16xi32>
      %add3A_526 = arith.addi %iota3A, %add3A_525 : vector<16xi32>
      %and3A_527 = arith.constant 15 : i32
      %and3A_528 = vector.broadcast %and3A_527 : i32 to vector<16xi32>
      %and3A_529 = arith.andi %add3A_526, %and3A_528 : vector<16xi32>
      %broadcast_in_dim3A_530 = vector.shape_cast %and3A_529 : vector<16xi32> to vector<16x1xi32>
      %gather3A_531 = vector.shape_cast %broadcast_in_dim3A_530 : vector<16x1xi32> to vector<16xi32>
      %gather3A_532 = tpu.dynamic_gather %add3A_523[%gather3A_531] in [0] : vector<16xf32>, vector<16xi32> -> vector<16xf32>
      %add3A_533 = arith.addf %add3A_523, %gather3A_532 : vector<16xf32>
      %add3A_534 = arith.constant 2 : i32
      %add3A_535 = vector.broadcast %add3A_534 : i32 to vector<16xi32>
      %add3A_536 = arith.addi %iota3A, %add3A_535 : vector<16xi32>
      %and3A_537 = arith.constant 15 : i32
      %and3A_538 = vector.broadcast %and3A_537 : i32 to vector<16xi32>
      %and3A_539 = arith.andi %add3A_536, %and3A_538 : vector<16xi32>
      %broadcast_in_dim3A_540 = vector.shape_cast %and3A_539 : vector<16xi32> to vector<16x1xi32>
      %gather3A_541 = vector.shape_cast %broadcast_in_dim3A_540 : vector<16x1xi32> to vector<16xi32>
      %gather3A_542 = tpu.dynamic_gather %add3A_533[%gather3A_541] in [0] : vector<16xf32>, vector<16xi32> -> vector<16xf32>
      %add3A_543 = arith.addf %add3A_533, %gather3A_542 : vector<16xf32>
      %add3A_544 = arith.constant 1 : i32
      %add3A_545 = vector.broadcast %add3A_544 : i32 to vector<16xi32>
      %add3A_546 = arith.addi %iota3A, %add3A_545 : vector<16xi32>
      %and3A_547 = arith.constant 15 : i32
      %and3A_548 = vector.broadcast %and3A_547 : i32 to vector<16xi32>
      %and3A_549 = arith.andi %add3A_546, %and3A_548 : vector<16xi32>
      %broadcast_in_dim3A_550 = vector.shape_cast %and3A_549 : vector<16xi32> to vector<16x1xi32>
      %gather3A_551 = vector.shape_cast %broadcast_in_dim3A_550 : vector<16x1xi32> to vector<16xi32>
      %gather3A_552 = tpu.dynamic_gather %add3A_543[%gather3A_551] in [0] : vector<16xf32>, vector<16xi32> -> vector<16xf32>
      %add3A_553 = arith.addf %add3A_543, %gather3A_552 : vector<16xf32>
      %eq3A_554 = arith.constant 8 : i32
      %eq3A_555 = vector.broadcast %eq3A_554 : i32 to vector<16xi32>
      %eq3A_556 = arith.cmpi eq, %iota3A, %eq3A_555 : vector<16xi32>
      %add3A_557 = arith.addf %select_n3A_513, %add3A_553 : vector<16xf32>
      %select_n3A_558 = arith.select %eq3A_556, %add3A_557, %select_n3A_513 : vector<16xi1>, vector<16xf32>
      %add3A_559 = arith.constant 8 : i32
      %add3A_560 = vector.broadcast %add3A_559 : i32 to vector<16xi32>
      %add3A_561 = arith.addi %iota3A, %add3A_560 : vector<16xi32>
      %and3A_562 = arith.constant 15 : i32
      %and3A_563 = vector.broadcast %and3A_562 : i32 to vector<16xi32>
      %and3A_564 = arith.andi %add3A_561, %and3A_563 : vector<16xi32>
      %broadcast_in_dim3A_565 = vector.shape_cast %and3A_564 : vector<16xi32> to vector<16x1xi32>
      %gather3A_566 = vector.shape_cast %broadcast_in_dim3A_565 : vector<16x1xi32> to vector<16xi32>
      %gather3A_567 = tpu.dynamic_gather %scan3A_149#9[%gather3A_566] in [0] : vector<16xf32>, vector<16xi32> -> vector<16xf32>
      %add3A_568 = arith.addf %scan3A_149#9, %gather3A_567 : vector<16xf32>
      %add3A_569 = arith.constant 4 : i32
      %add3A_570 = vector.broadcast %add3A_569 : i32 to vector<16xi32>
      %add3A_571 = arith.addi %iota3A, %add3A_570 : vector<16xi32>
      %and3A_572 = arith.constant 15 : i32
      %and3A_573 = vector.broadcast %and3A_572 : i32 to vector<16xi32>
      %and3A_574 = arith.andi %add3A_571, %and3A_573 : vector<16xi32>
      %broadcast_in_dim3A_575 = vector.shape_cast %and3A_574 : vector<16xi32> to vector<16x1xi32>
      %gather3A_576 = vector.shape_cast %broadcast_in_dim3A_575 : vector<16x1xi32> to vector<16xi32>
      %gather3A_577 = tpu.dynamic_gather %add3A_568[%gather3A_576] in [0] : vector<16xf32>, vector<16xi32> -> vector<16xf32>
      %add3A_578 = arith.addf %add3A_568, %gather3A_577 : vector<16xf32>
      %add3A_579 = arith.constant 2 : i32
      %add3A_580 = vector.broadcast %add3A_579 : i32 to vector<16xi32>
      %add3A_581 = arith.addi %iota3A, %add3A_580 : vector<16xi32>
      %and3A_582 = arith.constant 15 : i32
      %and3A_583 = vector.broadcast %and3A_582 : i32 to vector<16xi32>
      %and3A_584 = arith.andi %add3A_581, %and3A_583 : vector<16xi32>
      %broadcast_in_dim3A_585 = vector.shape_cast %and3A_584 : vector<16xi32> to vector<16x1xi32>
      %gather3A_586 = vector.shape_cast %broadcast_in_dim3A_585 : vector<16x1xi32> to vector<16xi32>
      %gather3A_587 = tpu.dynamic_gather %add3A_578[%gather3A_586] in [0] : vector<16xf32>, vector<16xi32> -> vector<16xf32>
      %add3A_588 = arith.addf %add3A_578, %gather3A_587 : vector<16xf32>
      %add3A_589 = arith.constant 1 : i32
      %add3A_590 = vector.broadcast %add3A_589 : i32 to vector<16xi32>
      %add3A_591 = arith.addi %iota3A, %add3A_590 : vector<16xi32>
      %and3A_592 = arith.constant 15 : i32
      %and3A_593 = vector.broadcast %and3A_592 : i32 to vector<16xi32>
      %and3A_594 = arith.andi %add3A_591, %and3A_593 : vector<16xi32>
      %broadcast_in_dim3A_595 = vector.shape_cast %and3A_594 : vector<16xi32> to vector<16x1xi32>
      %gather3A_596 = vector.shape_cast %broadcast_in_dim3A_595 : vector<16x1xi32> to vector<16xi32>
      %gather3A_597 = tpu.dynamic_gather %add3A_588[%gather3A_596] in [0] : vector<16xf32>, vector<16xi32> -> vector<16xf32>
      %add3A_598 = arith.addf %add3A_588, %gather3A_597 : vector<16xf32>
      %eq3A_599 = arith.constant 9 : i32
      %eq3A_600 = vector.broadcast %eq3A_599 : i32 to vector<16xi32>
      %eq3A_601 = arith.cmpi eq, %iota3A, %eq3A_600 : vector<16xi32>
      %add3A_602 = arith.addf %select_n3A_558, %add3A_598 : vector<16xf32>
      %select_n3A_603 = arith.select %eq3A_601, %add3A_602, %select_n3A_558 : vector<16xi1>, vector<16xf32>
      %swap3A_604 = arith.constant 0 : index
      %swap3A_605 = tpu.vector_load %arg11[%swap3A_604] {strides = array<i32>} : memref<16xf32, #tpu.memory_space<vmem>>, vector<16xf32>,
      %swap3A_606 = vector.shape_cast %swap3A_605 : vector<16xf32> to vector<16xf32>
      %swap3A_607 = vector.shape_cast %select_n3A_603 : vector<16xf32> to vector<16xf32>
      tpu.vector_store %arg11[%swap3A_604], %swap3A_607 {strides = array<i32>} : memref<16xf32, #tpu.memory_space<vmem>>, vector<16xf32>,
      "tpu.region"() ({
        %run_scoped3A = tpu.sem_alloc : memref<!tpu.dma_semaphore, #tpu.memory_space<semaphore_mem>>
        %dma_start3A_608 = arith.constant 0 : i32
        %dma_start3A_609 = tpu.memref_slice %arg6[%select_n3A, %dma_start3A_608] : memref<4x16xf32, #tpu.memory_space<hbm>> -> memref<1x16xf32, #tpu.memory_space<hbm>>
        %dma_start3A_610 = tpu.memref_squeeze %dma_start3A_609 : memref<1x16xf32, #tpu.memory_space<hbm>> -> memref<16xf32, #tpu.memory_space<hbm>>
        %dma_start3A_611 = arith.constant 0 : i32
        %dma_start3A_612 = tpu.memref_slice %arg6[%select_n3A, %dma_start3A_611] : memref<4x16xf32, #tpu.memory_space<hbm>> -> memref<1x16xf32, #tpu.memory_space<hbm>>
        %dma_start3A_613 = tpu.memref_squeeze %dma_start3A_612 : memref<1x16xf32, #tpu.memory_space<hbm>> -> memref<16xf32, #tpu.memory_space<hbm>>
        tpu.enqueue_dma source(%arg11 : memref<16xf32, #tpu.memory_space<vmem>>) target(%dma_start3A_613 : memref<16xf32, #tpu.memory_space<hbm>>) target_semaphore(%run_scoped3A : memref<!tpu.dma_semaphore, #tpu.memory_space<semaphore_mem>>)
        %dma_wait3A_614 = arith.constant 0 : i32
        %dma_wait3A_615 = tpu.memref_slice %arg6[%select_n3A, %dma_wait3A_614] : memref<4x16xf32, #tpu.memory_space<hbm>> -> memref<1x16xf32, #tpu.memory_space<hbm>>
        %dma_wait3A_616 = tpu.memref_squeeze %dma_wait3A_615 : memref<1x16xf32, #tpu.memory_space<hbm>> -> memref<16xf32, #tpu.memory_space<hbm>>
        %dma_wait3A_617 = arith.constant 0 : i32
        %dma_wait3A_618 = tpu.memref_slice %arg6[%select_n3A, %dma_wait3A_617] : memref<4x16xf32, #tpu.memory_space<hbm>> -> memref<1x16xf32, #tpu.memory_space<hbm>>
        %dma_wait3A_619 = tpu.memref_squeeze %dma_wait3A_618 : memref<1x16xf32, #tpu.memory_space<hbm>> -> memref<16xf32, #tpu.memory_space<hbm>>
        tpu.wait_dma2 semaphore(%run_scoped3A : memref<!tpu.dma_semaphore, #tpu.memory_space<semaphore_mem>>) src(%arg11 : memref<16xf32, #tpu.memory_space<vmem>>) dst(%dma_wait3A_619 : memref<16xf32, #tpu.memory_space<hbm>>)
        tpu.yield
      }) : () -> ()
    } else {
    }
    return
  }
}

</mosaic_0001>

<sc_bundles>
// kernel: kernel.3.cloned.1.call-start
scs
__scs_entry_jumppad:
0x0: {  	(pc) =	sbr.rel $0x88, $3  }
0x1: {  	(tag) =	ssettag $0x0;
	lr =	simm.s32 $0x1  }
0x2: {  	[smem:$0x3F9D] =	sst lr;
	_ =	strace $0xD0000000  }
0x3: {  	_ = 	snop  }
0x4: {  	_ = 	snop  }
0x5: {  	_ = 	snop  }
0x6: {  	_ = 	snop  }
0x7: {  	_ = 	snop  }
__scs_overlays_trampoline_lowered:
0x8: {  	[smem:$0x3FAC] =	sst s0  }
0x9: {  	[smem:$0x3FAD] =	sst s1  }
0xa: {  	[smem:$0x3FAE] =	sst s2  }
0xb: {  	[smem:$0x3FAF] =	sst s3  }
0xc: {  	[smem:$0x3FB0] =	sst s4  }
0xd: {  	[smem:$0x3FB1] =	sst s5  }
0xe: {  	[smem:$0x3FB2] =	sst s6  }
0xf: {  	[smem:$0x3FB3] =	sst s7  }
0x10: {  	[smem:$0x3FB4] =	sst s8  }
0x11: {  	[smem:$0x3FB5] =	sst s9;
	s0 =	simm.s32 @!p0 $0x0  }
0x12: {  	s1 =	sld [smem:$0x3F9B];
	s0 =	simm.s32 @p0 $0x1  }
0x13: {  	[smem:$0x3FB6] =	sst s0;
	s0 =	simm.s32 @!p1 $0x0  }
0x14: {  	s2 =	sld [smem:$0x3F9A];
	s0 =	simm.s32 @p1 $0x1  }
0x15: {  	[smem:$0x3FB7] =	sst s0;
	s0 =	simm.s32 @!p2 $0x0  }
0x16: {  	s3 =	sld [smem:$0x3FDB];
	s0 =	simm.s32 @p2 $0x1  }
0x17: {  	s4 =	simm.s32 $0x1BF5;
	[smem:$0x3FB9] =	sst s0  }
0x18: {  	s0 =	sld [smem:$0x3F9C];
	_ =	swait.ge [sflag:s4], $0x0  }
0x19: {  	s7 =	sld [smem:$0x3F9D]  }
0x1a: {  	s8 =	sadd.s32 $0xFFFFE003, lr  }
0x1b: {  	s9 =	sadd.s32 $0xFFFFFEF7, lr;
	s5 =	simm.s32 $0xFFFFFFFF;
	p2 =	slt.u32 s8, $0xFFFFF086  }
0x1c: {  	p1 =	slt.u32 s9, $0xF7A;
	s5 =	simm.s32 @!p2 $0x0  }
0x1d: {  	s5 =	simm.s32 @p1 $0x1;
	p0 =	seq.s32 s7, s2  }
0x1e: {  	s7 =	smul.u32 @!p0 $0xF7A, s2;
	p2 =	seq.s32 @!p0 s5, $0x0  }
0x1f: {  	s9 =	smul.u32 $0xF7A, s1;
	s8 =	simm.s32 @!p0 $0x1BF5;
	p2 =	por !p2, p0  }
0x20: {  	[sflag:s8] =	ssyncset.s32 @!p0 $0xFFFFF086;
	s6 =	sadd.s32 @!p0 s3, s7;
	s7 =	simm.s32 @!p0 $0x108  }
0x21: {  	s3 =	sadd.s32 s3, s9;
	s6 =	sadd.s32 @!p0 $0x88, s6;
	s7 =	simm.s32 @p2 $0x1082  }
0x22: {  	[simem:s7], [sflag:s8] =	dma.local @!p0 [hbm:s6], $0xF7A  }
0x23: {  	s9 =	sor.u32 $0xD0000000, s2;
	s6 =	simm.s32 $0x108;
	_ =	swait.ge @!p0 [sflag:s8], $0x0  }
0x24: {  	s3 =	sadd.s32 $0x88, s3;
	s6 =	simm.s32 @!p1 $0x1082;
	[sflag:s4] =	ssyncset.s32 $0xFFFFF086  }
0x25: {  	[simem:s6], [sflag:s4] =	dma.local [hbm:s3], $0xF7A  }
0x26: {  	[smem:$0x3F9D] =	sst s1;
	(tag) =	ssettag s2;
	_ =	strace s9  }
0x27: {  	s1 =	sld [smem:$0x3FAD]  }
0x28: {  	s2 =	sld [smem:$0x3FAE]  }
0x29: {  	s4 =	sld [smem:$0x3FB0]  }
0x2a: {  	p0 =	seq.s32 s5, $0x0;
	s5 =	sld [smem:$0x3FB1]  }
0x2b: {  	s6 =	sld [smem:$0x3FB2]  }
0x2c: {  	s7 =	sld [smem:$0x3FB3]  }
0x2d: {  	s3 =	simm.s32 $0x108;
	s8 =	sld [smem:$0x3FB4]  }
0x2e: {  	s3 =	simm.s32 @!p0 $0x1082;
	s9 =	sld [smem:$0x3FB5]  }
0x2f: {  	lr =	sadd.s32 s0, s3;
	s0 =	sld [smem:$0x3FAC]  }
0x30: {  	s3 =	sld [smem:$0x3FAF]  }
0x31: {  	[smem:$0x3FB8] =	sst s10  }
0x32: {  	s10 =	sld [smem:$0x3FB6];
	_ =	sdelay $0x3  }
0x33: {  	p0 =	seq.s32 s10, $0x1;
	s10 =	sld [smem:$0x3FB8];
	_ =	sdelay $0x3  }
0x34: {  	[smem:$0x3FB8] =	sst s10  }
0x35: {  	s10 =	sld [smem:$0x3FB7];
	_ =	sdelay $0x3  }
0x36: {  	p1 =	seq.s32 s10, $0x1;
	s10 =	sld [smem:$0x3FB8];
	_ =	sdelay $0x3  }
0x37: {  	[smem:$0x3FB8] =	sst s10  }
0x38: {  	s10 =	sld [smem:$0x3FB9]  }
0x39: {  	_ = 	snop;
	(pc) =	sbr.ind lr, $3  }
0x3a: {  	_ = 	snop  }
0x3b: {  	_ = 	snop  }
0x3c: {  	p2 =	seq.s32 s10, $0x1;
	s10 =	sld [smem:$0x3FB8]  }
0x3d: {  	_ =	shalt  }
0x3e: {  	_ =	shalt  }
0x3f: {  	_ =	shalt  }
0x40: {  	_ =	shalt  }
0x41: {  	_ =	shalt  }
0x42: {  	_ =	shalt  }
0x43: {  	_ =	shalt  }
0x44: {  	_ =	shalt  }
0x45: {  	_ =	shalt  }
0x46: {  	_ =	shalt  }
0x47: {  	_ =	shalt  }
0x48: {  	_ =	shalt  }
0x49: {  	_ =	shalt  }
0x4a: {  	_ =	shalt  }
0x4b: {  	_ =	shalt  }
0x4c: {  	_ =	shalt  }
0x4d: {  	_ =	shalt  }
0x4e: {  	_ =	shalt  }
0x4f: {  	_ =	shalt  }
0x50: {  	_ =	shalt  }
0x51: {  	_ =	shalt  }
0x52: {  	_ =	shalt  }
0x53: {  	_ =	shalt  }
0x54: {  	_ =	shalt  }
0x55: {  	_ =	shalt  }
0x56: {  	_ =	shalt  }
0x57: {  	_ =	shalt  }
0x58: {  	_ =	shalt  }
0x59: {  	_ =	shalt  }
0x5a: {  	_ =	shalt  }
0x5b: {  	_ =	shalt  }
0x5c: {  	_ =	shalt  }
0x5d: {  	_ =	shalt  }
0x5e: {  	_ =	shalt  }
0x5f: {  	_ =	shalt  }
0x60: {  	_ =	shalt  }
0x61: {  	_ =	shalt  }
0x62: {  	_ =	shalt  }
0x63: {  	_ =	shalt  }
0x64: {  	_ =	shalt  }
0x65: {  	_ =	shalt  }
0x66: {  	_ =	shalt  }
0x67: {  	_ =	shalt  }
0x68: {  	_ =	shalt  }
0x69: {  	_ =	shalt  }
0x6a: {  	_ =	shalt  }
0x6b: {  	_ =	shalt  }
0x6c: {  	_ =	shalt  }
0x6d: {  	_ =	shalt  }
0x6e: {  	_ =	shalt  }
0x6f: {  	_ =	shalt  }
0x70: {  	_ =	shalt  }
0x71: {  	_ =	shalt  }
0x72: {  	_ =	shalt  }
0x73: {  	_ =	shalt  }
0x74: {  	_ =	shalt  }
0x75: {  	_ =	shalt  }
0x76: {  	_ =	shalt  }
0x77: {  	_ =	shalt  }
0x78: {  	_ =	shalt  }
0x79: {  	_ =	shalt  }
0x7a: {  	_ =	shalt  }
0x7b: {  	_ =	shalt  }
0x7c: {  	_ =	shalt  }
0x7d: {  	_ =	shalt  }
0x7e: {  	_ =	shalt  }
0x7f: {  	_ =	shalt  }
0x80: {  	_ =	shalt  }
0x81: {  	_ =	shalt  }
0x82: {  	_ =	shalt  }
0x83: {  	_ =	shalt  }
0x84: {  	_ =	shalt  }
0x85: {  	_ =	shalt  }
0x86: {  	_ =	shalt  }
0x87: {  	_ =	shalt  }
.Lfunc_end0:
.L_simem_size_0:
called_computation_lowered:
.L_overlay_start_0:
0x88: {  	s0 =	sld [smem:$0x3FD9]  }
0x89: {  	s1 =	sld [smem:$0x3FFE];
	_ =	sdelay $0x3  }
0x8a: {  	s0 =	sadd.s32 s1, s0  }
0x8b: {  	[smem:$0x3FC4] =	sst s0  }
0x8c: {  	_ = 	snop  }
0x8d: {  	s0 =	sld [smem:$0x3FC9]  }
0x8e: {  	s16 =	sld [smem:$0x3FC7]  }
0x8f: {  	s2 =	sld [smem:$0x3FD0];
	(tm) =	ssettm $0x1  }
0x90: {  	s3 =	sld [smem:$0x3FFB];
	_ =	sdelay $0x3  }
0x91: {  	_ =	strace s3  }
0x92: {  	s3 =	sld [smem:$0x3FFC];
	_ =	sdelay $0x3  }
0x93: {  	_ =	strace s3  }
0x94: {  	s3 =	sld [smem:$0x3FFD];
	_ =	sdelay $0x3  }
0x95: {  	_ =	strace s3  }
0x96: {  	_ =	strace $0x8FFFFFFF  }
0x97: {  	s17 =	sld [smem:$0x3FDB];
	_ =	sdelay $0x1  }
0x98: {  	s4 =	simm.s32 $_scs_section_size  }
0x99: {  	s5 =	simm.s32 $_size__tile_overlayer_lowered;
	s6 =	simm.s32 $_tile_overlayer_lowered  }
0x9a: {  	s20 =	simm.s32 $0x1BFF;
	s19 =	sshll.u32 s6, $0x1;
	s3 =	sadd.s32 s4, s17  }
0x9b: {  	s7 =	simm.s32 $0x0;
	s18 =	sshll.u32 s5, $0x1;
	s5 =	sadd.s32 s19, s3  }
0x9c: {  	[timem:s7], [sflag:s20] =	dma.local [hbm:s5], s18  }
0x9d: {  	_ =	swait.ge [sflag:s20], s18  }
0x9e: {  	s4 =	ssub.s32 $0x0, s18;
	[sflag:s20] =	ssyncset.done $0x0  }
0x9f: {  	[sflag:s20] =	ssyncadd.s32 s4;
	_ =	sdelay $0x1  }
0xa0: {  	s21 =	simm.s32 $0x1B8B  }
0xa1: {  	_ =	swait.ge [sflag:s21], $0x1  }
0xa2: {  	[sflag:s21] =	ssyncset.done $0x0  }
0xa3: {  	s23 =	simm.s32 $0x1B8E;
	s22 =	sld [smem:$0x3FFE];
	[sflag:s21] =	ssyncadd.s32 $0xFFFFFFFF  }
0xa4: {  	s24 =	simm.s32 $execute0_lowered;
	[smem:$0x3FD2] =	sst s23  }
0xa5: {  	s5 =	sshll.u32 s24, $0x1;
	_ =	strace $0x80000046;
	[dreg:$0x1] =	wrdreg $0xFFFFFFFF  }
0xa6: {  	s25 =	simm.s32 $_size_execute0_lowered;
	s3 =	sadd.s32 s3, s5;
	[dreg:$0x0] =	wrdreg $0x0  }
0xa7: {  	s5 =	sshll.u32 s25, $0x1;
	[dreg:$0x2] =	wrdreg s3  }
0xa8: {  	[dreg:$0x3] =	wrdreg s5  }
0xa9: {  	[dreg:$0x4] =	wrdreg $0xC0  }
0xaa: {  	_ =	task [dreg:s7], $0x5FFFF  }
0xab: {  	[dreg:$0x1] =	wrdreg $0xFFFFFFFF  }
0xac: {  	[dreg:$0x0] =	wrdreg $0x60  }
0xad: {  	[dreg:$0x2] =	wrdreg s0  }
0xae: {  	[dreg:$0x3] =	wrdreg s22  }
0xaf: {  	[dreg:$0x4] =	wrdreg s16  }
0xb0: {  	[dreg:$0x5] =	wrdreg s2  }
0xb1: {  	[dreg:$0x6] =	wrdreg $0x9  }
0xb2: {  	_ =	task.clear_ibuf [dreg:s7], $0x7FFFF;
	_ =	strace $0x90000046  }
0xb3: {  	s26 =	simm.s32 $0x9;
	_ =	strace $0x80000048  }
0xb4: {  	_ =	swait.ge [sflag:s26], $0x1  }
0xb5: {  	[sflag:s26] =	ssyncadd.s32 $0xFFFFFFFF  }
0xb6: {  	_ =	strace $0x90000048  }
0xb7: {  	_ =	sfence  }
0xb8: {  	s28 =	sld [smem:$0x0];
	_ =	sdelay $0x1  }
0xb9: {  	s29 =	srdreg.scid  }
0xba: {  	s30 =	sshll.u32 s29, $0xD;
	s31 =	sshrl.u32 s29, $0x2  }
0xbb: {  	s1 =	sand.u32 $0x1, s29;
	s2 =	sand.u32 $0x4000, s30;
	s0 =	sadd.s32 s31, s28  }
0xbc: {  	s1 =	sor.u32 s2, s1;
	s0 =	sshll.u32 s0, $0x11  }
0xbd: {  	s0 =	sor.u32 s0, s1  }
0xbe: {  	s0 =	sadd.s32 $0x8F2B, s0  }
0xbf: {  	[sflag:s0] =	ssyncadd.remote.s32 $0x1  }
0xc0: {  	_ =	sfence.sel $0xFFFF  }
0xc1: {  	[dreg:$0x0] =	wrdreg $0xFFFFFFFF;
	(pc) =	sbr.abs _section_cstart, $3  }
0xc2: {  	[dreg:$0x1] =	wrdreg $0xFFFFFFFF  }
0xc3: {  	_ =	task.clear_ibuf [dreg:s7], $0x2FFFF;
	_ =	strace $0x9FFFFFFF  }
0xc4: {  	(tm) =	ssettm $0x7FFFFFFF  }
0xc5: {  	_ =	shalt  }
tec
execute0_lowered:
.L_overlay_start_1:
0x0: {  	(tag) =	ssettag $0x1  }
0x1: {  	s3 =	rddreg [dreg:$0x0]  }
0x2: {  	s5 =	rddreg [dreg:$0x1]  }
0x3: {  	s6 =	rddreg [dreg:$0x2]  }
0x4: {  	s0 =	stileid.u32;
	s2 =	rddreg [dreg:$0x3]  }
0x5: {  	s1 =	rddreg [dreg:$0x4];
	s9 =	simm.s32 $0x0;
	s4 =	sshrl.u32 s0, $0x2  }
0x6: {  	s21 =	simm.s32 $0x80;
	s7 =	sand.u32 $0x3, s0;
	s8 =	sshll.u32 s4, $0x4  }
0x7: {  	s12 =	simm.s32 $0x200;
	s11 =	sshll.u32 s7, $0xA;
	s10 =	sadd.s32 s8, s5  }
0x8: {  	[smem:$0x7FF] =	sst s9;
	p0 =	sne.s32 s7, $0x0;
	s10 =	sadd.s32 s11, s10  }
0x9: {  	_ =	strace $0x80000047;
	s13 =	smul.u32 @!p0 $0x600000, s4;
	s10 =	sadd.s32 $0x400, s10  }
0xa: {  	[tilespmem:s9], [sflag:$0x3] =	stream.strided.gather [hbm4b:s10+s21], $0x800, s12, s21, $0x38;
	[tilespmem:$0x3C00] =	vst v63  }
0xb: {  	[smem:$0x0] =	sst s9;
	s10 =	sshrl.u32 @!p0 s13, $0x3  }
0xc: {  	s11 =	simm.s32 @!p0 $0x0;
	s12 =	simm.s32 @!p0 $0xB00;
	s10 =	sadd.s32 @!p0 s3, s10  }
0xd: {  	[tilespmem:s12], [sflag:$0x1] =	stream.linear.gather @!p0 [hbm4b:s6+s11], $0x3000, $0x38;
	[tilespmem:$0x3C00] =	vst v63  }
0xe: {  	s5 =	sadd.s32 $0x1400, s5;
	s9 =	simm.s32 @!p0 $0x3B00;
	s6 =	sadd.s32 @!p0 $0xBFD70, s10  }
0xf: {  	[tilespmem:s9], [sflag:$0x2] =	stream.linear.gather @!p0 [hbm4b:s5+s11], $0x80, $0x38;
	[tilespmem:$0x3C00] =	vst v63  }
0x10: {  	s10 =	simm.s32 @!p0 $0x800;
	s5 =	simm.s32 @!p0 $0x80;
	s9 =	simm.s32 @!p0 $0x400  }
0x11: {  	[tilespmem:s10], [sflag:$0x4] =	stream.strided.gather @!p0 [hbm4b:s6+s5], $0x300, s9, s5, $0x38;
	[tilespmem:$0x3C00] =	vst v63  }
0x12: {  	s22 =	simm.s32 $0x3;
	[bflag:$0x0] =	sbarrier.arrive $0xFFFF  }
0x13: {  	_ =	swait.ge [sflag:s22], $0x800  }
0x14: {  	[sflag:s22] =	ssyncset.done $0x0  }
0x15: {  	s23 =	simm.s32 $0x40;
	[sflag:s22] =	ssyncadd.s32 $0xFFFFF800  }
0x16: {  	v4 =	vld [tilespmem:s23+$0xFFFFFFC0]  }
0x17: {  	v5 =	vld [tilespmem:s23+$0xFFFFFFD0]  }
0x18: {  	s24 =	sshll.u32 s7, $0xB;
	v6 =	vld [tilespmem:s23+$0xFFFFFFE0]  }
0x19: {  	s7 =	sadd.s32 $0x70, s24  }
0x1a: {  	v0 =	vlaneseq.u32;
	v7 =	vimm.s32 $0x0;
	s29 =	sadd.s32 $0xFFFFFF90, s7;
	s31 =	sadd.s32 $0xFFFFFFA0, s7  }
0x1b: {  	s30 =	sadd.s32 $0xFFFFFFB0, s7;
	v12 =	vor.u32 s29, v0;
	v14 =	vor.u32 s31, v0;
	v8 =	vld [tilespmem:s23+$0xFFFFFFF0];
	vm0 =	veq.s32 v4, $0x9E20  }
0x1c: {  	v10 =	vld [tilespmem:s23+$0x0];
	v4 =	vor.u32 s30, v0;
	v12 =	vnsel vm0, $0x0, v12;
	vm0 =	veq.s32 v5, $0x9E20  }
0x1d: {  	v13 =	vld [tilespmem:s23+$0x10];
	v5 =	vadd.s32 v7, v12;
	v7 =	vnsel vm0, $0x0, v14;
	vm0 =	veq.s32 v6, $0x9E20  }
0x1e: {  	s25 =	sadd.s32 $0xFFFFFFC0, s7;
	v5 =	vadd.s32 v7, v5;
	v6 =	vnsel vm0, $0x0, v4;
	v4 =	vld [tilespmem:s23+$0x20]  }
0x1f: {  	s26 =	sadd.s32 $0xFFFFFFD0, s7;
	s28 =	sadd.s32 $0xFFFFFFE0, s7;
	v1 =	vor.u32 s7, v0;
	v9 =	vor.u32 s25, v0;
	v6 =	vadd.s32 v6, v5;
	v5 =	vld [tilespmem:s23+$0x30]  }
0x20: {  	v11 =	vor.u32 s26, v0;
	v3 =	vor.u32 s28, v0;
	s5 =	sadd.s32 $0xFFFFFFF0, s7;
	vm0 =	veq.s32 v8, $0x9E20  }
0x21: {  	s2 =	sadd.s32 s2, s8;
	s8 =	simm.s32 $0x0;
	s6 =	sand.u32 $0xC, s0;
	v2 =	vor.u32 s5, v0;
	v7 =	vnsel vm0, $0x0, v9;
	vm0 =	veq.s32 v10, $0x9E20  }
0x22: {  	s9 =	simm.s32 $0xC0;
	s5 =	sshll.u32 s4, $0xD;
	s4 =	sshllo.u32 s4, $0xD;
	v6 =	vadd.s32 v7, v6;
	v7 =	vnsel vm0, $0x0, v11;
	vm0 =	veq.s32 v13, $0x9E20  }
.LBB2_1:
0x23: {  	v8 =	vld [tilespmem:s9+$0xFFFFFFC0];
	s8 =	sadd.s32 $0x8, s8;
	v6 =	vadd.s32 v7, v6;
	v3 =	vnsel vm0, $0x0, v3;
	vm0 =	veq.s32 v4, $0x9E20  }
0x24: {  	s7 =	sadd.s32 $0x80, s7;
	v4 =	vld [tilespmem:s9+$0xFFFFFFD0];
	p1 =	slt.u32 s8, $0x78;
	v3 =	vadd.s32 v3, v6;
	v2 =	vnsel vm0, $0x0, v2;
	vm0 =	veq.s32 v5, $0x9E20  }
0x25: {  	s10 =	sadd.s32 $0xFFFFFFF0, s7;
	v5 =	vld [tilespmem:s9+$0xFFFFFFE0];
	v3 =	vadd.s32 v2, v3;
	v6 =	vnsel vm0, $0x0, v1  }
0x26: {  	s11 =	sadd.s32 $0xFFFFFFC0, s7;
	s12 =	sadd.s32 $0xFFFFFFD0, s7;
	s13 =	sadd.s32 $0xFFFFFFE0, s7;
	v2 =	vor.u32 s10, v0;
	v1 =	vor.u32 s7, v0;
	v7 =	vld [tilespmem:s9+$0xFFFFFFF0];
	v6 =	vadd.s32 v6, v3  }
0x27: {  	s14 =	sadd.s32 $0xFFFFFFB0, s7;
	s10 =	sadd.s32 $0xFFFFFF90, s7;
	v9 =	vor.u32 s11, v0;
	v11 =	vor.u32 s12, v0;
	v3 =	vor.u32 s13, v0;
	v10 =	vld [tilespmem:s9+$0x0]  }
0x28: {  	v12 =	vor.u32 s10, v0;
	s10 =	sadd.s32 $0xFFFFFFA0, s7;
	vm0 =	veq.s32 v8, $0x9E20;
	v8 =	vor.u32 s14, v0;
	v13 =	vld [tilespmem:s9+$0x10]  }
.Ltmp0:
0x29: {  	v14 =	vor.u32 s10, v0;
	v12 =	vnsel vm0, $0x0, v12;
	vm0 =	veq.s32 v4, $0x9E20;
	v4 =	vld [tilespmem:s9+$0x20];
	(pc) =	sbr.rel @p1 .LBB2_1-.Ltmp0, $4  }
0x2a: {  	v6 =	vadd.s32 v6, v12;
	v12 =	vnsel vm0, $0x0, v14;
	vm0 =	veq.s32 v5, $0x9E20;
	v5 =	vld [tilespmem:s9+$0x30]  }
0x2b: {  	v6 =	vadd.s32 v12, v6;
	v8 =	vnsel vm0, $0x0, v8;
	vm0 =	veq.s32 v7, $0x9E20  }
0x2c: {  	v6 =	vadd.s32 v8, v6;
	v7 =	vnsel vm0, $0x0, v9;
	vm0 =	veq.s32 v10, $0x9E20  }
0x2d: {  	s9 =	sadd.s32 $0x80, s9;
	v6 =	vadd.s32 v7, v6;
	v7 =	vnsel vm0, $0x0, v11;
	vm0 =	veq.s32 v13, $0x9E20  }
0x2e: {  	v0 =	vimm.s32 $0xFEDCBA98  }
0x2f: {  	v6 =	vadd.s32 v7, v6;
	v48 =	vimm.s32 $0x76543210;
	v3 =	vnsel vm0, $0x0, v3  }
0x30: {  	vm14 =	veq.s32 v4, $0x9E20;
	v51 =	vimm.s32 $0x3210FEDC;
	v0 =	vunpack.c.l.s4.s8 v0  }
0x31: {  	v53 =	vimm.s32 $0xBA987654;
	v55 =	vimm.s32 $0x10FEDCBA;
	v49 =	vunpack.c.l.s4.s8 v48  }
0x32: {  	v56 =	vimm.s32 $0x98765432;
	v3 =	vadd.s32 v3, v6;
	v0 =	vunpack.c.0.s8.s32 v0  }
0x33: {  	v2 =	vnsel vm14, $0x0, v2;
	vm15 =	veq.s32 v5, $0x9E20;
	v50 =	vunpack.c.0.s8.s32 v49  }
0x34: {  	v52 =	vunpack.c.l.s4.s8 v51;
	v54 =	vunpack.c.l.s4.s8 v53;
	v0 =	vand.u32 $0xF, v0  }
0x35: {  	v2 =	vadd.s32 v2, v3;
	v1 =	vnsel vm15, $0x0, v1;
	v0 =	vcombine.low v0, v50  }
0x36: {  	v1 =	vadd.s32 v1, v2;
	v3 =	vunpack.c.0.s8.s32 v52;
	v2 =	vunpack.c.0.s8.s32 v54  }
0x37: {  	v4 =	vunpack.c.l.s4.s8 v55;
	v5 =	vunpack.c.l.s4.s8 v56;
	v0 =	vperm.xlane v1, v0  }
0x38: {  	v60 =	vimm.s32 $0xFEDCBA9;
	v61 =	vimm.s32 $0x87654321;
	v57 =	vcombine.low v2, v3  }
0x39: {  	v58 =	vunpack.c.0.s8.s32 v4;
	v59 =	vunpack.c.0.s8.s32 v5;
	v0 =	vadd.s32 v1, v0  }
0x3a: {  	v4 =	vunpack.c.l.s4.s8 v60;
	v5 =	vunpack.c.l.s4.s8 v61;
	v1 =	vperm.xlane v0, v57  }
0x3b: {  	v2 =	vcombine.low v59, v58  }
0x3c: {  	v62 =	vunpack.c.0.s8.s32 v4;
	v63 =	vunpack.c.0.s8.s32 v5;
	v0 =	vadd.s32 v1, v0  }
0x3d: {  	v2 =	vperm.xlane v0, v2  }
0x3e: {  	v1 =	vcombine.low v63, v62  }
0x3f: {  	v0 =	vadd.s32 v2, v0  }
0x40: {  	v1 =	vperm.xlane v0, v1;
	_ =	sdelay $0x1  }
0x41: {  	v0 =	vadd.s32 v1, v0  }
0x42: {  	(v2sf) =	vpush v0, $0x0;
	_ =	sdelay $0xd  }
0x43: {  	s7 =	simm.s32 $0x5  }
0x44: {  	s6 =	sshll.u32 s6, $0x10;
	[sflag:s7] =	ssyncset.done $0x0;
	s8 =	spop (v2sf)  }
0x45: {  	[smem:s6], [sflag:$0x5] =	smem.add.s32 s8  }
.Ltmp1:
0x46: {  	_ =	swait.done [sflag:s7];
	(pc) =	sbr.rel @p0 .LBB2_6-.Ltmp1, $3  }
0x47: {  	[sflag:s7] =	ssyncset.s32 $0x0  }
0x48: {  	[sflag:s7] =	ssyncset.done $0x0  }
0x49: {  	[bflag:$0x0] =	sbarrier.arrive $0xFFFF;
	_ =	sdelay $0x1  }
0x4a: {  	s6 =	sld [smem:$0x0];
	_ =	sdelay $0x2  }
0x4b: {  	s5 =	sadd.s32 s5, s6  }
0x4c: {  	p0 =	sgt.s32 s5, $0x0  }
0x4d: {  	s5 =	simm.s32 @!p0 $0x0  }
0x4e: {  	s5 =	smin.u32 s5, $0x7FFF  }
0x4f: {  	p0 =	seq.s32 s5, s4  }
0x50: {  	s4 =	sshrl.u32 @!p0 s5, $0x3  }
0x51: {  	s28 =	simm.s32 $0x4;
	s5 =	sshll.u32 @!p0 s5, $0x7;
	s4 =	smul.u32 @!p0 $0x1800, s4  }
0x52: {  	_ =	swait.ge [sflag:s28], $0x300;
	s5 =	sand.u32 @!p0 $0x380, s5  }
0x53: {  	[sflag:s28] =	ssyncset.done $0x0;
	s4 =	sor.u32 @!p0 s5, s4  }
0x54: {  	[sflag:s28] =	ssyncadd.s32 $0xFFFFFD00;
	s6 =	simm.s32 @!p0 $0x800;
	s4 =	sshrl.u32 @!p0 s4, $0x3  }
0x55: {  	s5 =	simm.s32 @!p0 $0x400;
	s3 =	sadd.s32 @!p0 s3, s4;
	s4 =	simm.s32 @!p0 $0x80  }
0x56: {  	[tilespmem:s6], [sflag:$0x6] =	stream.strided.gather @!p0 [hbm4b:s3+s4], $0x300, s5, s4, $0x38;
	[tilespmem:$0x3C00] =	vst v63  }
0x57: {  	s3 =	simm.s32 @!p0 $0x6  }
0x58: {  	_ =	swait.ge @!p0 [sflag:s3], $0x300  }
0x59: {  	[sflag:s3] =	ssyncset.done @!p0 $0x0  }
0x5a: {  	s29 =	simm.s32 $0x1;
	[sflag:s3] =	ssyncadd.s32 @!p0 $0xFFFFFD00  }
0x5b: {  	_ =	swait.ge [sflag:s29], $0x3000  }
0x5c: {  	[sflag:s29] =	ssyncset.done $0x0  }
0x5d: {  	s30 =	simm.s32 $0x2;
	[sflag:s29] =	ssyncadd.s32 $0xFFFFD000  }
0x5e: {  	_ =	swait.ge [sflag:s30], $0x80  }
0x5f: {  	[sflag:s30] =	ssyncset.done $0x0  }
0x60: {  	s31 =	simm.s32 $0x840;
	[sflag:s30] =	ssyncadd.s32 $0xFFFFFF80  }
0x61: {  	s3 =	simm.s32 $0xB00;
	v0 =	vld [tilespmem:s31+$0x30]  }
0x62: {  	v2 =	vld [tilespmem:s3+$0x70]  }
0x63: {  	v3 =	vld [tilespmem:s3+$0xF0]  }
0x64: {  	v5 =	vld [tilespmem:s3+$0x170]  }
0x65: {  	v6 =	vld [tilespmem:s3+$0x1F0]  }
0x66: {  	v7 =	vld [tilespmem:s3+$0x270]  }
0x67: {  	v8 =	vld [tilespmem:s3+$0x2F0]  }
0x68: {  	v10 =	vld [tilespmem:s3+$0x370]  }
0x69: {  	v11 =	vld [tilespmem:s3+$0x3F0]  }
0x6a: {  	v1 =	vld [tilespmem:s31+$0x20]  }
0x6b: {  	v14 =	vld [tilespmem:s3+$0x60]  }
0x6c: {  	v20 =	vld [tilespmem:s3+$0xE0]  }
0x6d: {  	v21 =	vld [tilespmem:s3+$0x160]  }
0x6e: {  	v23 =	vld [tilespmem:s3+$0x1E0]  }
0x6f: {  	v24 =	vld [tilespmem:s3+$0x260]  }
0x70: {  	v25 =	vld [tilespmem:s3+$0x2E0]  }
0x71: {  	v26 =	vld [tilespmem:s3+$0x360]  }
0x72: {  	v27 =	vld [tilespmem:s3+$0x3E0]  }
0x73: {  	v4 =	vld [tilespmem:s31+$0x10]  }
0x74: {  	v28 =	vld [tilespmem:s3+$0x50]  }
0x75: {  	v29 =	vld [tilespmem:s3+$0xD0]  }
0x76: {  	v30 =	vld [tilespmem:s3+$0x150]  }
0x77: {  	v31 =	vld [tilespmem:s3+$0x1D0]  }
0x78: {  	v32 =	vld [tilespmem:s3+$0x250]  }
0x79: {  	v33 =	vld [tilespmem:s3+$0x2D0]  }
0x7a: {  	v34 =	vld [tilespmem:s3+$0x350]  }
0x7b: {  	v35 =	vld [tilespmem:s3+$0x3D0]  }
0x7c: {  	v15 =	vld [tilespmem:s31+$0x0]  }
0x7d: {  	v36 =	vld [tilespmem:s3+$0x40]  }
0x7e: {  	v37 =	vld [tilespmem:s3+$0xC0]  }
0x7f: {  	v38 =	vld [tilespmem:s3+$0x140]  }
0x80: {  	v39 =	vld [tilespmem:s3+$0x1C0]  }
0x81: {  	v40 =	vld [tilespmem:s3+$0x240]  }
0x82: {  	v41 =	vld [tilespmem:s3+$0x2C0]  }
0x83: {  	v42 =	vld [tilespmem:s3+$0x340]  }
0x84: {  	v16 =	vld [tilespmem:s31+$0xFFFFFFF0]  }
0x85: {  	v17 =	vld [tilespmem:s31+$0xFFFFFFE0]  }
0x86: {  	v18 =	vld [tilespmem:s31+$0xFFFFFFD0]  }
0x87: {  	v46 =	vld [tilespmem:s3+$0x0];
	v43 =	vmul.f32 v2, v0;
	v44 =	vmul.f32 v3, v0  }
0x88: {  	v57 =	vld [tilespmem:s3+$0x90];
	v12 =	vmul.f32 v5, v0;
	v9 =	vmul.f32 v7, v0  }
0x89: {  	v19 =	vmul.f32 v8, v0;
	v8 =	vmul.f32 v20, v1;
	v20 =	vld [tilespmem:s31+$0xFFFFFFC0]  }
0x8a: {  	v7 =	vmul.f32 v14, v1;
	v14 =	vmul.f32 v24, v1;
	v24 =	vld [tilespmem:s3+$0x80]  }
0x8b: {  	v22 =	vmul.f32 v21, v1;
	v21 =	vmul.f32 v25, v1;
	v25 =	vld [tilespmem:s3+$0x10]  }
0x8c: {  	v58 =	vld [tilespmem:s3+$0x20];
	v13 =	vmul.f32 v6, v0;
	v3 =	vmul.f32 v10, v0  }
0x8d: {  	v47 =	vld [tilespmem:s3+$0xA0];
	v6 =	vmul.f32 v26, v1;
	v5 =	vmul.f32 v27, v1  }
0x8e: {  	v60 =	vld [tilespmem:s3+$0x30];
	v26 =	vmul.f32 v28, v4;
	v59 =	vmul.f32 v46, v20  }
0x8f: {  	v48 =	vld [tilespmem:s3+$0xB0];
	v27 =	vmul.f32 v29, v4;
	v24 =	vmul.f32 v24, v20;
	v46 =	vimm.f32 $0.0e+00  }
0x90: {  	v49 =	vld [tilespmem:s3+$0x130];
	v10 =	vmul.f32 v34, v4;
	v25 =	vmul.f32 v25, v18;
	v34 =	vadd.f32 v59, v46  }
0x91: {  	v62 =	vld [tilespmem:s3+$0x120];
	v29 =	vmul.f32 v30, v4;
	v28 =	vmul.f32 v57, v18;
	v24 =	vadd.f32 v24, v46  }
0x92: {  	v63 =	vld [tilespmem:s3+$0x1A0];
	v30 =	vmul.f32 v31, v4;
	v31 =	vmul.f32 v58, v17;
	v25 =	vadd.f32 v25, v34  }
0x93: {  	v51 =	vld [tilespmem:s3+$0x110];
	v2 =	vmul.f32 v11, v0;
	v61 =	vmul.f32 v47, v17;
	v24 =	vadd.f32 v28, v24  }
0x94: {  	v55 =	vld [tilespmem:s3+$0x100];
	v11 =	vmul.f32 v35, v4;
	v35 =	vmul.f32 v60, v16;
	v25 =	vadd.f32 v31, v25  }
0x95: {  	v56 =	vld [tilespmem:s3+$0x180];
	v23 =	vmul.f32 v23, v1;
	v53 =	vmul.f32 v48, v16;
	v24 =	vadd.f32 v61, v24  }
0x96: {  	v32 =	vmul.f32 v32, v4;
	v36 =	vmul.f32 v36, v15;
	v57 =	vld [tilespmem:s3+$0x200];
	v25 =	vadd.f32 v35, v25  }
0x97: {  	v37 =	vmul.f32 v37, v15;
	v47 =	vmul.f32 v63, v17;
	v63 =	vld [tilespmem:s3+$0x2A0];
	v24 =	vadd.f32 v53, v24  }
0x98: {  	v33 =	vmul.f32 v33, v4;
	v38 =	vmul.f32 v38, v15;
	v60 =	vld [tilespmem:s3+$0x290];
	v25 =	vadd.f32 v36, v25  }
0x99: {  	v39 =	vmul.f32 v39, v15;
	v40 =	vmul.f32 v40, v15;
	v58 =	vld [tilespmem:s3+$0x280];
	v24 =	vadd.f32 v37, v24  }
0x9a: {  	v54 =	vld [tilespmem:s3+$0x190];
	v49 =	vmul.f32 v49, v16;
	v48 =	vmul.f32 v55, v20;
	v25 =	vadd.f32 v26, v25  }
0x9b: {  	v59 =	vld [tilespmem:s3+$0x210];
	v34 =	vmul.f32 v62, v17;
	v62 =	vmul.f32 v57, v20;
	v24 =	vadd.f32 v27, v24  }
0x9c: {  	v52 =	vld [tilespmem:s3+$0x230];
	v28 =	vmul.f32 v41, v15;
	v57 =	vmul.f32 v63, v17;
	v7 =	vadd.f32 v7, v25  }
0x9d: {  	v61 =	vld [tilespmem:s3+$0x220];
	v31 =	vmul.f32 v60, v18;
	v35 =	vadd.f32 v62, v46;
	v24 =	vadd.f32 v8, v24  }
0x9e: {  	v45 =	vld [tilespmem:s3+$0x3C0];
	v36 =	vmul.f32 v58, v20;
	v25 =	vmul.f32 v56, v20;
	v8 =	vadd.f32 v43, v7  }
0x9f: {  	v50 =	vld [tilespmem:s3+$0x1B0];
	v26 =	vmul.f32 v51, v18;
	v7 =	vadd.f32 v44, v24;
	v24 =	vadd.f32 v48, v46  }
0xa0: {  	v55 =	vld [tilespmem:s3+$0x2B0];
	v27 =	vmul.f32 v54, v18;
	v54 =	vmul.f32 v59, v18;
	v25 =	vadd.f32 v25, v46  }
0xa1: {  	v63 =	vld [tilespmem:s3+$0x390];
	v60 =	vmul.f32 v52, v16;
	v36 =	vadd.f32 v36, v46;
	v24 =	vadd.f32 v26, v24  }
0xa2: {  	v52 =	vld [tilespmem:s3+$0x1800];
	v35 =	vadd.f32 v54, v35;
	v25 =	vadd.f32 v27, v25;
	v26 =	vmul.f32 v61, v17  }
0xa3: {  	v41 =	vmul.f32 v42, v15;
	v58 =	vld [tilespmem:s3+$0x320];
	v31 =	vadd.f32 v31, v36;
	v24 =	vadd.f32 v34, v24  }
0xa4: {  	v37 =	vmul.f32 v50, v16;
	v50 =	vld [tilespmem:s3+$0x300];
	v25 =	vadd.f32 v47, v25;
	v26 =	vadd.f32 v26, v35  }
0xa5: {  	v62 =	vmul.f32 v55, v16;
	v59 =	vld [tilespmem:s3+$0x3A0];
	v31 =	vadd.f32 v57, v31;
	v24 =	vadd.f32 v49, v24  }
0xa6: {  	v42 =	vmul.f32 v45, v15;
	v56 =	vld [tilespmem:s3+$0x330];
	v25 =	vadd.f32 v37, v25;
	v26 =	vadd.f32 v60, v26  }
0xa7: {  	v53 =	vld [tilespmem:s3+$0x1880];
	v55 =	vmul.f32 v63, v18;
	v31 =	vadd.f32 v62, v31;
	v24 =	vadd.f32 v38, v24  }
0xa8: {  	v43 =	vmul.f32 v58, v17;
	v61 =	vld [tilespmem:s3+$0x310];
	v25 =	vadd.f32 v39, v25;
	v26 =	vadd.f32 v40, v26  }
0xa9: {  	v51 =	vld [tilespmem:s3+$0x380];
	v57 =	vmul.f32 v50, v20;
	v28 =	vadd.f32 v28, v31;
	v24 =	vadd.f32 v29, v24  }
0xaa: {  	v58 =	vld [tilespmem:s3+$0x1890];
	v34 =	vmul.f32 v59, v17;
	v25 =	vadd.f32 v30, v25;
	v26 =	vadd.f32 v32, v26  }
0xab: {  	v49 =	vmul.f32 v56, v16;
	v56 =	vld [tilespmem:s3+$0x1810];
	v28 =	vadd.f32 v33, v28;
	v22 =	vadd.f32 v22, v24  }
0xac: {  	v27 =	vld [tilespmem:s3+$0x3B0];
	v59 =	vmul.f32 v52, v20;
	v23 =	vadd.f32 v23, v25;
	v26 =	vadd.f32 v14, v26  }
0xad: {  	v60 =	vld [tilespmem:s3+$0x18A0];
	v54 =	vmul.f32 v61, v18;
	v21 =	vadd.f32 v21, v28;
	v14 =	vadd.f32 v12, v22  }
0xae: {  	v24 =	vmul.f32 v51, v20;
	v25 =	vld [tilespmem:s3+$0x1820];
	v13 =	vadd.f32 v13, v23;
	v12 =	vadd.f32 v9, v26  }
0xaf: {  	v20 =	vmul.f32 v53, v20;
	v22 =	vld [tilespmem:s3+$0x1830];
	v9 =	vadd.f32 v19, v21;
	v19 =	vadd.f32 v57, v46  }
0xb0: {  	v21 =	vadd.f32 v24, v46;
	v23 =	vmul.f32 v56, v18;
	v24 =	vld [tilespmem:s3+$0x18B0];
	v26 =	vadd.f32 v59, v46  }
0xb1: {  	v62 =	vld [tilespmem:s3+$0x18C0];
	v20 =	vadd.f32 v20, v46;
	v18 =	vmul.f32 v58, v18;
	v19 =	vadd.f32 v54, v19  }
0xb2: {  	v27 =	vmul.f32 v27, v16;
	v61 =	vld [tilespmem:s3+$0x1840];
	v21 =	vadd.f32 v55, v21;
	v23 =	vadd.f32 v23, v26  }
0xb3: {  	v63 =	vld [tilespmem:s3+$0x1850];
	v18 =	vadd.f32 v18, v20;
	v25 =	vmul.f32 v25, v17;
	v17 =	vmul.f32 v60, v17  }
0xb4: {  	v19 =	vadd.f32 v43, v19;
	v20 =	vadd.f32 v34, v21;
	v21 =	vld [tilespmem:s3+$0x18D0];
	v22 =	vmul.f32 v22, v16  }
0xb5: {  	v23 =	vadd.f32 v25, v23;
	v25 =	vadd.f32 v17, v18;
	v16 =	vmul.f32 v24, v16;
	v18 =	vld [tilespmem:s3+$0x1860]  }
0xb6: {  	v26 =	vmul.f32 v62, v15;
	v17 =	vld [tilespmem:s3+$0x18E0];
	v19 =	vadd.f32 v49, v19;
	v27 =	vadd.f32 v27, v20  }
0xb7: {  	v20 =	vmul.f32 v61, v15;
	v24 =	vadd.f32 v22, v23;
	v25 =	vadd.f32 v16, v25;
	v16 =	vld [tilespmem:s3+$0x1870]  }
0xb8: {  	s4 =	simm.s32 $0x0;
	s5 =	simm.s32 $0x8C0;
	v15 =	vld [tilespmem:s3+$0x18F0];
	v22 =	vadd.f32 v41, v19;
	v23 =	vadd.f32 v42, v27;
	v19 =	vmul.f32 v63, v4  }
.LBB2_4:
0xb9: {  	v27 =	vld [tilespmem:s5+$0x30];
	v20 =	vadd.f32 v20, v24;
	v24 =	vadd.f32 v26, v25;
	v4 =	vmul.f32 v21, v4;
	s3 =	sadd.s32 $0x400, s3  }
0xba: {  	v21 =	vld [tilespmem:s3+$0x70];
	v10 =	vadd.f32 v10, v22;
	v11 =	vadd.f32 v11, v23;
	v18 =	vmul.f32 v18, v1  }
0xbb: {  	v22 =	vld [tilespmem:s3+$0xF0];
	v19 =	vadd.f32 v19, v20;
	v4 =	vadd.f32 v4, v24;
	v1 =	vmul.f32 v17, v1  }
0xbc: {  	v20 =	vld [tilespmem:s3+$0x170];
	v6 =	vadd.f32 v6, v10;
	v5 =	vadd.f32 v5, v11;
	v10 =	vmul.f32 v16, v0  }
0xbd: {  	v11 =	vld [tilespmem:s3+$0x1F0];
	v17 =	vadd.f32 v18, v19;
	v1 =	vadd.f32 v1, v4;
	v4 =	vmul.f32 v15, v0  }
0xbe: {  	v23 =	vld [tilespmem:s3+$0x270];
	v15 =	vadd.f32 v3, v6;
	v16 =	vadd.f32 v2, v5;
	v0 =	vmov v27  }
0xbf: {  	v2 =	vld [tilespmem:s3+$0x2F0];
	v17 =	vadd.f32 v10, v17;
	v18 =	vadd.f32 v4, v1  }
0xc0: {  	v3 =	vld [tilespmem:s3+$0x370]  }
0xc1: {  	v5 =	vld [tilespmem:s3+$0x3F0]  }
0xc2: {  	v1 =	vld [tilespmem:s5+$0x20]  }
0xc3: {  	v6 =	vld [tilespmem:s3+$0x60]  }
0xc4: {  	v10 =	vld [tilespmem:s3+$0xE0]  }
0xc5: {  	v28 =	vld [tilespmem:s3+$0x160]  }
0xc6: {  	v29 =	vld [tilespmem:s3+$0x1E0]  }
0xc7: {  	v32 =	vld [tilespmem:s3+$0x260]  }
0xc8: {  	v33 =	vld [tilespmem:s3+$0x2E0]  }
0xc9: {  	v34 =	vld [tilespmem:s3+$0x360]  }
0xca: {  	v35 =	vld [tilespmem:s3+$0x3E0]  }
0xcb: {  	v4 =	vld [tilespmem:s5+$0x10]  }
0xcc: {  	v36 =	vld [tilespmem:s3+$0x50]  }
0xcd: {  	v37 =	vld [tilespmem:s3+$0xD0]  }
0xce: {  	v38 =	vld [tilespmem:s3+$0x150]  }
0xcf: {  	v39 =	vld [tilespmem:s3+$0x1D0]  }
0xd0: {  	v40 =	vld [tilespmem:s3+$0x250]  }
0xd1: {  	v41 =	vld [tilespmem:s3+$0x2D0]  }
0xd2: {  	v42 =	vld [tilespmem:s3+$0x350]  }
0xd3: {  	v43 =	vld [tilespmem:s3+$0x3D0]  }
0xd4: {  	v19 =	vld [tilespmem:s5+$0x0]  }
0xd5: {  	v44 =	vld [tilespmem:s3+$0x40]  }
0xd6: {  	v45 =	vld [tilespmem:s3+$0xC0]  }
0xd7: {  	v46 =	vld [tilespmem:s3+$0x140]  }
0xd8: {  	v47 =	vld [tilespmem:s3+$0x1C0]  }
0xd9: {  	v48 =	vld [tilespmem:s3+$0x240]  }
0xda: {  	v49 =	vld [tilespmem:s3+$0x2C0]  }
0xdb: {  	v51 =	vmul.f32 v21, v0;
	v52 =	vmul.f32 v22, v0;
	v50 =	vld [tilespmem:s3+$0x340]  }
0xdc: {  	v25 =	vmul.f32 v20, v0;
	v26 =	vmul.f32 v11, v0;
	v53 =	vld [tilespmem:s3+$0x3C0]  }
0xdd: {  	v23 =	vmul.f32 v23, v0;
	v24 =	vmul.f32 v2, v0;
	v20 =	vld [tilespmem:s5+$0xFFFFFFF0]  }
0xde: {  	v3 =	vmul.f32 v3, v0;
	v2 =	vmul.f32 v5, v0;
	v21 =	vld [tilespmem:s5+$0xFFFFFFE0]  }
0xdf: {  	v54 =	vmul.f32 v6, v1;
	v55 =	vmul.f32 v10, v1;
	v22 =	vld [tilespmem:s5+$0xFFFFFFD0]  }
0xe0: {  	v30 =	vmul.f32 v28, v1;
	v31 =	vmul.f32 v29, v1;
	v27 =	vld [tilespmem:s5+$0xFFFFFFC0]  }
0xe1: {  	v28 =	vmul.f32 v32, v1;
	v29 =	vmul.f32 v33, v1;
	v56 =	vld [tilespmem:s3+$0x0]  }
0xe2: {  	v6 =	vmul.f32 v34, v1;
	v5 =	vmul.f32 v35, v1;
	v32 =	vld [tilespmem:s3+$0x80]  }
0xe3: {  	v57 =	vmul.f32 v36, v4;
	v58 =	vmul.f32 v37, v4;
	v33 =	vld [tilespmem:s3+$0x10]  }
0xe4: {  	v36 =	vmul.f32 v38, v4;
	v37 =	vmul.f32 v39, v4;
	v59 =	vld [tilespmem:s3+$0x90]  }
0xe5: {  	v34 =	vmul.f32 v40, v4;
	v35 =	vmul.f32 v41, v4;
	v38 =	vld [tilespmem:s3+$0x20]  }
0xe6: {  	v10 =	vmul.f32 v42, v4;
	v11 =	vmul.f32 v43, v4;
	v39 =	vld [tilespmem:s3+$0xA0]  }
0xe7: {  	v40 =	vmul.f32 v56, v27;
	v32 =	vmul.f32 v32, v27;
	v41 =	vld [tilespmem:s3+$0x30]  }
0xe8: {  	v43 =	vmul.f32 v44, v19;
	v33 =	vmul.f32 v33, v22;
	v42 =	vld [tilespmem:s3+$0xB0]  }
0xe9: {  	v8 =	vadd.f32 v40, v8;
	v7 =	vadd.f32 v32, v7;
	v32 =	vmul.f32 v59, v22;
	v40 =	vld [tilespmem:s3+$0x130]  }
0xea: {  	v45 =	vmul.f32 v45, v19;
	v38 =	vmul.f32 v38, v21;
	v44 =	vld [tilespmem:s3+$0x1B0]  }
0xeb: {  	v8 =	vadd.f32 v33, v8;
	v7 =	vadd.f32 v32, v7;
	v32 =	vmul.f32 v39, v21;
	v39 =	vld [tilespmem:s3+$0x120]  }
0xec: {  	v56 =	vld [tilespmem:s3+$0x1A0];
	v33 =	vmul.f32 v41, v20;
	v41 =	vmul.f32 v46, v19  }
0xed: {  	v8 =	vadd.f32 v38, v8;
	v46 =	vld [tilespmem:s3+$0x110];
	v7 =	vadd.f32 v32, v7;
	v32 =	vmul.f32 v42, v20  }
0xee: {  	v42 =	vmul.f32 v47, v19;
	v47 =	vmul.f32 v48, v19;
	v38 =	vld [tilespmem:s3+$0x190]  }
0xef: {  	v49 =	vmul.f32 v49, v19;
	v8 =	vadd.f32 v33, v8;
	v48 =	vld [tilespmem:s3+$0x100];
	v7 =	vadd.f32 v32, v7  }
0xf0: {  	v33 =	vmul.f32 v53, v19;
	v32 =	vmul.f32 v50, v19;
	v59 =	vld [tilespmem:s3+$0x180]  }
0xf1: {  	v40 =	vmul.f32 v40, v20;
	v8 =	vadd.f32 v43, v8;
	v50 =	vld [tilespmem:s3+$0x200];
	v7 =	vadd.f32 v45, v7  }
0xf2: {  	v44 =	vmul.f32 v44, v20;
	v39 =	vmul.f32 v39, v21;
	v43 =	vld [tilespmem:s3+$0x280]  }
0xf3: {  	v53 =	vmul.f32 v56, v21;
	v8 =	vadd.f32 v57, v8;
	v45 =	vld [tilespmem:s3+$0x210];
	v7 =	vadd.f32 v58, v7  }
0xf4: {  	v46 =	vmul.f32 v46, v22;
	v38 =	vmul.f32 v38, v22;
	v56 =	vld [tilespmem:s3+$0x290]  }
0xf5: {  	v48 =	vmul.f32 v48, v27;
	v8 =	vadd.f32 v54, v8;
	v57 =	vld [tilespmem:s3+$0x220];
	v7 =	vadd.f32 v55, v7  }
0xf6: {  	v54 =	vmul.f32 v59, v27;
	v50 =	vmul.f32 v50, v27;
	v55 =	vld [tilespmem:s3+$0x2A0]  }
0xf7: {  	v8 =	vadd.f32 v51, v8;
	v43 =	vmul.f32 v43, v27;
	v58 =	vld [tilespmem:s3+$0x230];
	v7 =	vadd.f32 v52, v7  }
0xf8: {  	v14 =	vadd.f32 v48, v14;
	v13 =	vadd.f32 v54, v13;
	v45 =	vmul.f32 v45, v22;
	v48 =	vld [tilespmem:s3+$0x2B0]  }
0xf9: {  	v12 =	vadd.f32 v50, v12;
	v9 =	vadd.f32 v43, v9;
	v43 =	vmul.f32 v56, v22;
	v50 =	vld [tilespmem:s3+$0x330]  }
0xfa: {  	v14 =	vadd.f32 v46, v14;
	v13 =	vadd.f32 v38, v13;
	v38 =	vmul.f32 v57, v21;
	v46 =	vld [tilespmem:s3+$0x3B0]  }
0xfb: {  	v12 =	vadd.f32 v45, v12;
	v9 =	vadd.f32 v43, v9;
	v43 =	vmul.f32 v55, v21;
	v45 =	vld [tilespmem:s3+$0x320]  }
0xfc: {  	v14 =	vadd.f32 v39, v14;
	v13 =	vadd.f32 v53, v13;
	v39 =	vld [tilespmem:s3+$0x3A0];
	v51 =	vmul.f32 v58, v20  }
0xfd: {  	v12 =	vadd.f32 v38, v12;
	v52 =	vld [tilespmem:s3+$0x310];
	v9 =	vadd.f32 v43, v9;
	v38 =	vmul.f32 v48, v20  }
0xfe: {  	v14 =	vadd.f32 v40, v14;
	v13 =	vadd.f32 v44, v13;
	v43 =	vld [tilespmem:s3+$0x390];
	v40 =	vmul.f32 v50, v20  }
0xff: {  	v12 =	vadd.f32 v51, v12;
	v44 =	vld [tilespmem:s3+$0x300];
	v9 =	vadd.f32 v38, v9;
	v38 =	vmul.f32 v46, v20  }
0x100: {  	v14 =	vadd.f32 v41, v14;
	v13 =	vadd.f32 v42, v13;
	v46 =	vld [tilespmem:s3+$0x380];
	v45 =	vmul.f32 v45, v21  }
0x101: {  	v12 =	vadd.f32 v47, v12;
	v41 =	vld [tilespmem:s3+$0x1800];
	v39 =	vmul.f32 v39, v21;
	v9 =	vadd.f32 v49, v9  }
0x102: {  	s4 =	sadd.s32 $0x8, s4;
	v14 =	vadd.f32 v36, v14;
	v13 =	vadd.f32 v37, v13;
	v42 =	vld [tilespmem:s3+$0x1880];
	v47 =	vmul.f32 v52, v22  }
0x103: {  	p0 =	slt.u32 s4, $0x28;
	v12 =	vadd.f32 v34, v12;
	v36 =	vmul.f32 v43, v22;
	v37 =	vld [tilespmem:s3+$0x1810];
	v9 =	vadd.f32 v35, v9  }
0x104: {  	v14 =	vadd.f32 v30, v14;
	v13 =	vadd.f32 v31, v13;
	v34 =	vmul.f32 v44, v27;
	v35 =	vld [tilespmem:s3+$0x1890]  }
0x105: {  	v12 =	vadd.f32 v28, v12;
	v30 =	vmul.f32 v46, v27;
	v31 =	vld [tilespmem:s3+$0x1820];
	v9 =	vadd.f32 v29, v9  }
0x106: {  	v14 =	vadd.f32 v25, v14;
	v13 =	vadd.f32 v26, v13;
	v28 =	vmul.f32 v41, v27;
	v29 =	vld [tilespmem:s3+$0x18A0]  }
0x107: {  	v12 =	vadd.f32 v23, v12;
	v25 =	vmul.f32 v42, v27;
	v26 =	vld [tilespmem:s3+$0x1830];
	v9 =	vadd.f32 v24, v9  }
0x108: {  	v15 =	vadd.f32 v34, v15;
	v16 =	vadd.f32 v30, v16;
	v23 =	vmul.f32 v37, v22;
	v24 =	vld [tilespmem:s3+$0x18B0]  }
0x109: {  	v17 =	vadd.f32 v28, v17;
	v18 =	vadd.f32 v25, v18;
	v22 =	vmul.f32 v35, v22;
	v25 =	vld [tilespmem:s3+$0x1840]  }
0x10a: {  	v15 =	vadd.f32 v47, v15;
	v16 =	vadd.f32 v36, v16;
	v27 =	vmul.f32 v31, v21;
	v28 =	vld [tilespmem:s3+$0x18C0]  }
0x10b: {  	v17 =	vadd.f32 v23, v17;
	v18 =	vadd.f32 v22, v18;
	v22 =	vmul.f32 v29, v21;
	v29 =	vld [tilespmem:s3+$0x1850]  }
.Ltmp2:
0x10c: {  	v15 =	vadd.f32 v45, v15;
	v16 =	vadd.f32 v39, v16;
	v23 =	vmul.f32 v26, v20;
	v21 =	vld [tilespmem:s3+$0x18D0];
	(pc) =	sbr.rel @p0 .LBB2_4-.Ltmp2, $4  }
0x10d: {  	v26 =	vadd.f32 v27, v17;
	v22 =	vadd.f32 v22, v18;
	v27 =	vmul.f32 v24, v20;
	v18 =	vld [tilespmem:s3+$0x1860]  }
0x10e: {  	v15 =	vadd.f32 v40, v15;
	v30 =	vadd.f32 v38, v16;
	v20 =	vmul.f32 v25, v19;
	v17 =	vld [tilespmem:s3+$0x18E0]  }
0x10f: {  	v24 =	vadd.f32 v23, v26;
	v25 =	vadd.f32 v27, v22;
	v26 =	vmul.f32 v28, v19;
	v16 =	vld [tilespmem:s3+$0x1870]  }
0x110: {  	s5 =	sadd.s32 $0x80, s5;
	v22 =	vadd.f32 v32, v15;
	v23 =	vadd.f32 v33, v30;
	v19 =	vmul.f32 v29, v4;
	v15 =	vld [tilespmem:s3+$0x18F0]  }
0x111: {  	v20 =	vadd.f32 v20, v24;
	v41 =	vadd.f32 v26, v25;
	v42 =	vimm.s32 $0xFEDCBA98  }
0x112: {  	v4 =	vmul.f32 v21, v4;
	v43 =	vimm.s32 $0x76543210;
	v45 =	vimm.s32 $0x3210FEDC  }
0x113: {  	v46 =	vimm.s32 $0xBA987654;
	v52 =	vimm.s32 $0x10FEDCBA;
	v53 =	vimm.s32 $0x98765432  }
0x114: {  	v57 =	vimm.s32 $0xFEDCBA9;
	v58 =	vimm.s32 $0x87654321;
	vm0 =	vmmov $0x1  }
0x115: {  	vm7 =	vcmask $0x30C;
	vm8 =	vcmask $0x710;
	vm9 =	vcmask $0xB14  }
0x116: {  	vm10 =	vcmask $0x1714;
	v25 =	vunpack.c.l.s4.s8 v42;
	v10 =	vadd.f32 v10, v22  }
0x117: {  	v11 =	vadd.f32 v11, v23;
	v21 =	vunpack.c.l.s4.s8 v43;
	v18 =	vmul.f32 v18, v1  }
0x118: {  	v22 =	vunpack.c.l.s4.s8 v45;
	v23 =	vunpack.c.l.s4.s8 v46;
	v54 =	vunpack.c.l.s4.s8 v52  }
0x119: {  	v55 =	vunpack.c.l.s4.s8 v53;
	v60 =	vunpack.c.l.s4.s8 v57;
	v61 =	vunpack.c.l.s4.s8 v58  }
0x11a: {  	v19 =	vadd.f32 v19, v20;
	v4 =	vadd.f32 v4, v41;
	v47 =	vmul.f32 v17, v1  }
0x11b: {  	v44 =	vunpack.c.0.s8.s32 v25;
	v21 =	vunpack.c.0.s8.s32 v21;
	v6 =	vadd.f32 v6, v10  }
0x11c: {  	v48 =	vunpack.c.0.s8.s32 v22;
	v49 =	vunpack.c.0.s8.s32 v23;
	v5 =	vadd.f32 v5, v11  }
0x11d: {  	v50 =	vmul.f32 v16, v0;
	v16 =	vunpack.c.0.s8.s32 v54;
	v20 =	vand.u32 $0xF, v44  }
0x11e: {  	v56 =	vunpack.c.0.s8.s32 v55;
	v18 =	vadd.f32 v18, v19;
	v17 =	vcombine.low v20, v21  }
0x11f: {  	v1 =	vadd.f32 v47, v4;
	v33 =	vmul.f32 v15, v0;
	v10 =	vcombine.low v49, v48  }
0x120: {  	v19 =	vunpack.c.0.s8.s32 v60;
	v16 =	vcombine.low v56, v16;
	v51 =	vperm.xlane v8, v17  }
0x121: {  	v3 =	vadd.f32 v3, v6;
	v2 =	vadd.f32 v2, v5;
	v20 =	vunpack.c.0.s8.s32 v61  }
0x122: {  	v11 =	vadd.f32 v50, v18;
	v59 =	vperm.xlane v7, v17;
	v8 =	vadd.f32 v51, v8  }
0x123: {  	v4 =	vand.u32 $0xF, v10;
	v62 =	vperm.xlane v14, v17;
	v23 =	vcombine.low v20, v19  }
0x124: {  	v0 =	vadd.f32 v33, v1;
	v24 =	vperm.xlane v13, v17;
	v10 =	vperm.xlane v8, v4  }
0x125: {  	v29 =	vperm.xlane v12, v17;
	v43 =	vperm.xlane v9, v17;
	v7 =	vadd.f32 v59, v7  }
0x126: {  	v46 =	vperm.xlane v3, v17;
	v8 =	vadd.f32 v10, v8;
	v10 =	vadd.f32 v62, v14  }
0x127: {  	v16 =	vand.u32 $0xF, v16;
	v48 =	vperm.xlane v2, v17;
	v22 =	vperm.xlane v7, v4  }
0x128: {  	v49 =	vperm.xlane v11, v17;
	v13 =	vadd.f32 v24, v13;
	v26 =	vperm.xlane v10, v4  }
0x129: {  	v6 =	vand.u32 $0xF, v23;
	v9 =	vadd.f32 v43, v9;
	v25 =	vadd.f32 v22, v7  }
0x12a: {  	v31 =	vperm.xlane v13, v4;
	v63 =	vperm.xlane v8, v16;
	v7 =	vadd.f32 v26, v10  }
0x12b: {  	v3 =	vadd.f32 v46, v3;
	v51 =	vperm.xlane v0, v17;
	v28 =	vperm.xlane v25, v16  }
0x12c: {  	v34 =	vadd.f32 v31, v13;
	v8 =	vadd.f32 v63, v8;
	v32 =	vperm.xlane v7, v16  }
0x12d: {  	v27 =	vld [tilespmem:$0x3B00];
	v47 =	vperm.xlane v9, v4;
	v5 =	vadd.f32 v28, v25;
	v10 =	vadd.f32 v29, v12  }
0x12e: {  	v37 =	vperm.xlane v34, v16;
	v30 =	vperm.xlane v8, v6;
	v7 =	vadd.f32 v32, v7  }
0x12f: {  	v2 =	vadd.f32 v48, v2;
	v35 =	vperm.xlane v5, v6;
	v36 =	vperm.xlane v10, v4  }
0x130: {  	v40 =	vadd.f32 v37, v34;
	v8 =	vadd.f32 v30, v8;
	v38 =	vperm.xlane v7, v6  }
0x131: {  	v50 =	vperm.xlane v3, v4;
	v5 =	vadd.f32 v35, v5;
	v10 =	vadd.f32 v36, v10  }
0x132: {  	v42 =	vperm.xlane v40, v6;
	v8 =	vadd.f32 v8, v27;
	v7 =	vadd.f32 v38, v7  }
0x133: {  	v53 =	vperm.xlane v2, v4;
	v5 =	vadd.f32 v5, v27;
	v41 =	vperm.xlane v10, v16  }
0x134: {  	v39 =	vsel vm0, v8, v27;
	v8 =	vadd.f32 v42, v40;
	v44 =	vadd.f32 v7, v27  }
0x135: {  	v2 =	vadd.f32 v53, v2;
	v45 =	vadd.f32 v41, v10;
	v1 =	vsel vm7, v39, v5  }
0x136: {  	v5 =	vsel vm8, v1, v44;
	v1 =	vadd.f32 v8, v1;
	v8 =	vadd.f32 v47, v9  }
0x137: {  	v3 =	vadd.f32 v50, v3;
	v10 =	vperm.xlane v45, v6;
	v9 =	vadd.f32 v49, v11  }
0x138: {  	v0 =	vadd.f32 v51, v0;
	v57 =	vperm.xlane v2, v16;
	v52 =	vperm.xlane v8, v16  }
0x139: {  	v7 =	vadd.f32 v10, v45;
	v10 =	vperm.xlane v3, v16;
	v55 =	vperm.xlane v9, v4  }
0x13a: {  	v2 =	vadd.f32 v57, v2;
	v4 =	vperm.xlane v0, v4;
	v54 =	vadd.f32 v52, v8  }
0x13b: {  	vm1 =	vcmask $0xF1C;
	v3 =	vadd.f32 v10, v3;
	v8 =	vadd.f32 v55, v9  }
0x13c: {  	v62 =	vperm.xlane v2, v6;
	v0 =	vadd.f32 v4, v0;
	v56 =	vperm.xlane v54, v6  }
0x13d: {  	vm11 =	vcmask $0x131C;
	v60 =	vperm.xlane v3, v6;
	v59 =	vperm.xlane v8, v16  }
0x13e: {  	v7 =	vadd.f32 v7, v5;
	v61 =	vperm.xlane v0, v16;
	v58 =	vadd.f32 v56, v54  }
0x13f: {  	v1 =	vsel vm9, v5, v1;
	v3 =	vadd.f32 v60, v3;
	v5 =	vadd.f32 v59, v8  }
0x140: {  	vm0 =	vmor vm1, vm10;
	v0 =	vadd.f32 v61, v0;
	v4 =	vadd.f32 v58, v1  }
0x141: {  	v2 =	vadd.f32 v62, v2;
	v7 =	vsel vm0, v1, v7;
	v8 =	vperm.xlane v5, v6  }
0x142: {  	v1 =	vadd.f32 v3, v1;
	v63 =	vperm.xlane v0, v6;
	v4 =	vsel vm11, v7, v4  }
0x143: {  	vm12 =	vcmask $0x1720;
	v5 =	vadd.f32 v8, v5;
	v2 =	vadd.f32 v2, v4  }
0x144: {  	vm13 =	vcmask $0x1B24;
	v0 =	vadd.f32 v63, v0;
	v1 =	vsel vm12, v4, v1  }
0x145: {  	v2 =	vsel vm13, v1, v2;
	v1 =	vadd.f32 v5, v1  }
0x146: {  	vm14 =	vcmask $0x1F28;
	v0 =	vadd.f32 v0, v2  }
0x147: {  	vm15 =	vcmask $0x2328;
	v1 =	vsel vm14, v2, v1  }
0x148: {  	v0 =	vsel vm15, v1, v0  }
0x149: {  	s3 =	simm.s32 $0x0;
	s4 =	simm.s32 $0x3B80;
	s31 =	simm.s32 $0x6;
	[tilespmem:$0x3B80] =	vst v0  }
0x14a: {  	[hbm4b:s2+s3] =	stream.linear.scatter [tilespmem:s4], [sflag:$0x6], $0x80, $0x38;
	[tilespmem:$0x3C00] =	vst v63  }
0x14b: {  	_ =	swait.ge [sflag:s31], $0x80  }
0x14c: {  	[sflag:s31] =	ssyncset.done $0x0  }
0x14d: {  	[sflag:s31] =	ssyncadd.s32 $0xFFFFFF80  }
.LBB2_6:
0x14e: {  	_ =	sfence.sel $0x180000  }
0x14f: {  	[bflag:$0x0] =	sbarrier.arrive $0xFFFF  }
0x150: {  	p0 =	sne.s32 s0, $0x0;
	_ =	strace $0x90000047  }
0x151: {  	s0 =	sadd.s32 @!p0 $0x100000, s1;
	[bflag:$0x2] =	sbarrier.arrive $0xFFFF  }
0x152: {  	[sflag:s0] =	ssyncadd.tile.s32 @!p0 $0x1;
	_ =	shalt  }
.Lfunc_end2:
_tile_overlayer_lowered:
.L_overlay_start_2:
0x153: {  	(tag) =	ssettag $0x2  }
0x154: {  	s0 =	rddreg [dreg:$0x0];
	s2 =	stileid.u32  }
0x155: {  	s1 =	rddreg [dreg:$0x1];
	p0 =	sne.s32 s2, $0x0  }
0x156: {  	s3 =	rddreg [dreg:$0x2];
	[bflag:$0x3] =	sbarrier.arrive $0xFFFF;
	s2 =	simm.s32 @!p0 $0x1C05  }
0x157: {  	[timem:s3], [sflag:s2] =	dma.local @!p0 [hbm:s0], s1  }
0x158: {  	s0 =	simm.s32 @!p0 $0x5  }
0x159: {  	_ =	swait.ge @!p0 [sflag:s0], s1  }
0x15a: {  	s1 =	ssub.s32 @!p0 $0x0, s1;
	[sflag:s0] =	ssyncset.done @!p0 $0x0  }
0x15b: {  	[sflag:s0] =	ssyncadd.s32 @!p0 s1  }
0x15c: {  	[bflag:$0x3] =	sbarrier.arrive $0xFFFF  }
0x15d: {  	_ =	shalt  }

</sc_bundles>
